<compile_context>
chip_gen: v7x
topology: tpu7x:2x2x1
jax: 0.10.2.dev20260603
libtpu: 0.0.44.dev20260713+nightly
codegen_flags: <defaults>
</compile_context>

<pallas_src>
import functools

import jax
import jax.numpy as jnp
from jax import lax
from jax.experimental import pallas as pl
from jax.experimental.pallas import tpu as pltpu
from jax.experimental.pallas import tpu_sc as plsc

_N = 10000
_E = 320000
_F = 128
_FH = 64
_ORDER = 8

_NC = 2
_NS = 16
_L = 16

_NPAD = 10240
_RT = _NPAD // _NS
_CROWS = 32
_NCHUNK = _RT // _CROWS

_EB = 128
_BPC = 8
_NECH = 20
_EPT = _NECH * _BPC * _EB
_EPAD = _NS * _EPT
_DUMMY = _N


def _rsqrt16(x):
    i = lax.bitcast_convert_type(x, jnp.int32)
    i = jnp.int32(0x5F3759DF) - (i >> 1)
    y = lax.bitcast_convert_type(i, jnp.float32)
    for _ in range(3):
        y = y * (1.5 - 0.5 * x * y * y)
    return y


def _grand_body(xp, rows_hbm, cols_hbm, y_hbm,
                w_sh, acc_sh, deg_sh,
                rows_cv, cols_cv, bufA, bufB, abuf, wbuf, ybuf,
                onesb, dbuf, dis_t, semG0, semG1, semS0, semS1):
    cid = lax.axis_index("c")
    sid = lax.axis_index("s")
    rbase = sid * _RT
    zero16 = jnp.zeros((_L,), jnp.float32)
    one16 = zero16 + 1.0

    def _fill(i, _):
        for k in range(_FH // _L):
            wbuf[i, pl.ds(k * _L, _L)] = zero16
        return 0
    lax.fori_loop(0, _CROWS, _fill, 0)

    def _fillo(i, _):
        onesb[i, pl.ds(0, _L)] = one16
        return 0
    lax.fori_loop(0, _EB, _fillo, 0)

    def _zacc(c, _):
        pltpu.sync_copy(wbuf, acc_sh.at[pl.ds(rbase + c * _CROWS, _CROWS)])
        pltpu.sync_copy(wbuf.at[pl.ds(0, _CROWS), pl.ds(0, _L)],
                        deg_sh.at[pl.ds(rbase + c * _CROWS, _CROWS)])
        return 0
    lax.fori_loop(0, _NCHUNK, _zacc, 0)
    plsc.subcore_barrier()

    def _deg_chunk(ch, _):
        pltpu.sync_copy(rows_hbm.at[sid, ch], rows_cv)
        def _deg(b, _2):
            pltpu.async_copy(onesb, deg_sh.at[rows_cv.at[b]], semS0, add=True)
            return 0
        lax.fori_loop(0, _BPC, _deg, 0)
        def _degw(b, _2):
            pltpu.make_async_copy(onesb, deg_sh.at[rows_cv.at[b]], semS0).wait()
            return 0
        lax.fori_loop(0, _BPC, _degw, 0)
        return 0
    lax.fori_loop(0, _NECH, _deg_chunk, 0)
    plsc.subcore_barrier()

    def _dis_chunk(c, _):
        pltpu.sync_copy(deg_sh.at[pl.ds(rbase + c * _CROWS, _CROWS)], dbuf)
        def _dis_row(i, _2):
            degv = dbuf[i, pl.ds(0, _L)] + 1.0
            dis_t[c * _CROWS + i, pl.ds(0, _L)] = _rsqrt16(degv)
            return 0
        lax.fori_loop(0, _CROWS, _dis_row, 0)
        return 0
    lax.fori_loop(0, _NCHUNK, _dis_chunk, 0)

    def _init_chunk(c, _):
        g0 = rbase + c * _CROWS
        pltpu.sync_copy(xp.at[pl.ds(g0, _CROWS), pl.ds(cid * _FH, _FH)], abuf)
        def _init_row(i, _2):
            d = dis_t[c * _CROWS + i, pl.ds(0, _L)]
            for k in range(_FH // _L):
                xv = abuf[i, pl.ds(k * _L, _L)]
                wbuf[i, pl.ds(k * _L, _L)] = (0.5 * xv) * d
                ybuf[i, pl.ds(k * _L, _L)] = 0.5 * xv
            return 0
        lax.fori_loop(0, _CROWS, _init_row, 0)
        pltpu.sync_copy(wbuf, w_sh.at[pl.ds(g0, _CROWS)])
        pltpu.sync_copy(ybuf, y_hbm.at[cid, pl.ds(g0, _CROWS)])
        return 0
    lax.fori_loop(0, _NCHUNK, _init_chunk, 0)
    plsc.subcore_barrier()

    def _round(t, _):
        def _echunk(ch, _2):
            pltpu.sync_copy(rows_hbm.at[sid, ch], rows_cv)
            pltpu.sync_copy(cols_hbm.at[sid, ch], cols_cv)
            pltpu.async_copy(w_sh.at[rows_cv.at[0]], bufA, semG0)
            pltpu.async_copy(w_sh.at[rows_cv.at[1]], bufB, semG1)
            def _epair(p, _3):
                b0 = 2 * p
                b1 = 2 * p + 1
                pltpu.make_async_copy(w_sh.at[rows_cv.at[b0]], bufA, semG0).wait()
                pltpu.async_copy(bufA, acc_sh.at[cols_cv.at[b0]], semS0, add=True)
                pltpu.make_async_copy(w_sh.at[rows_cv.at[b1]], bufB, semG1).wait()
                pltpu.async_copy(bufB, acc_sh.at[cols_cv.at[b1]], semS1, add=True)
                @pl.when(p < _BPC // 2 - 1)
                def _issue_next():
                    pltpu.make_async_copy(bufA, acc_sh.at[cols_cv.at[b0]], semS0).wait()
                    pltpu.async_copy(w_sh.at[rows_cv.at[b0 + 2]], bufA, semG0)
                    pltpu.make_async_copy(bufB, acc_sh.at[cols_cv.at[b1]], semS1).wait()
                    pltpu.async_copy(w_sh.at[rows_cv.at[b1 + 2]], bufB, semG1)
                return 0
            lax.fori_loop(0, _BPC // 2, _epair, 0)
            pltpu.make_async_copy(bufA, acc_sh.at[cols_cv.at[_BPC - 2]], semS0).wait()
            pltpu.make_async_copy(bufB, acc_sh.at[cols_cv.at[_BPC - 1]], semS1).wait()
            return 0
        lax.fori_loop(0, _NECH, _echunk, 0)
        plsc.subcore_barrier()

        def _row_chunk(c, _2):
            g0 = rbase + c * _CROWS
            pltpu.sync_copy(acc_sh.at[pl.ds(g0, _CROWS)], abuf)
            pltpu.sync_copy(w_sh.at[pl.ds(g0, _CROWS)], wbuf)
            pltpu.sync_copy(y_hbm.at[cid, pl.ds(g0, _CROWS)], ybuf)
            def _row(i, _3):
                d = dis_t[c * _CROWS + i, pl.ds(0, _L)]
                d2 = d * d
                for k in range(_FH // _L):
                    g = (abuf[i, pl.ds(k * _L, _L)]
                         + wbuf[i, pl.ds(k * _L, _L)])
                    ybuf[i, pl.ds(k * _L, _L)] += d * g
                    wbuf[i, pl.ds(k * _L, _L)] = d2 * g
                    abuf[i, pl.ds(k * _L, _L)] = zero16
                return 0
            lax.fori_loop(0, _CROWS, _row, 0)
            pltpu.sync_copy(wbuf, w_sh.at[pl.ds(g0, _CROWS)])
            pltpu.sync_copy(ybuf, y_hbm.at[cid, pl.ds(g0, _CROWS)])
            pltpu.sync_copy(abuf, acc_sh.at[pl.ds(g0, _CROWS)])
            return 0
        lax.fori_loop(0, _NCHUNK, _row_chunk, 0)
        plsc.subcore_barrier()
        return 0
    lax.fori_loop(0, _ORDER, _round, 0)


_grand_sc = functools.partial(
    pl.kernel,
    out_type=jax.ShapeDtypeStruct((_NC, _NPAD, _FH), jnp.float32),
    mesh=plsc.VectorSubcoreMesh(core_axis_name="c", subcore_axis_name="s",
                                num_cores=_NC, num_subcores=_NS),
    compiler_params=pltpu.CompilerParams(use_tc_tiling_on_sc=False),
    scratch_types=[
        pltpu.VMEM_SHARED((_NPAD, _FH), jnp.float32),
        pltpu.VMEM_SHARED((_NPAD, _FH), jnp.float32),
        pltpu.VMEM_SHARED((_NPAD, _L), jnp.float32),
        pltpu.VMEM((_BPC, _EB), jnp.int32),
        pltpu.VMEM((_BPC, _EB), jnp.int32),
        pltpu.VMEM((_EB, _FH), jnp.float32),
        pltpu.VMEM((_EB, _FH), jnp.float32),
        pltpu.VMEM((_CROWS, _FH), jnp.float32),
        pltpu.VMEM((_CROWS, _FH), jnp.float32),
        pltpu.VMEM((_CROWS, _FH), jnp.float32),
        pltpu.VMEM((_EB, _L), jnp.float32),
        pltpu.VMEM((_CROWS, _L), jnp.float32),
        pltpu.VMEM((_RT, _L), jnp.float32),
        pltpu.SemaphoreType.DMA,
        pltpu.SemaphoreType.DMA,
        pltpu.SemaphoreType.DMA,
        pltpu.SemaphoreType.DMA,
    ],
)(_grand_body)


def _mlp_body(y2_ref, w1a_ref, w1b_ref, b1_ref, w2_ref, b2_ref, o_ref):
    acc = jnp.dot(y2_ref[0], w1a_ref[...], preferred_element_type=jnp.float32)
    acc += jnp.dot(y2_ref[1], w1b_ref[...], preferred_element_type=jnp.float32)
    h = jnp.maximum(acc * (1.0 / (_ORDER + 1.0)) + b1_ref[...], 0.0)
    o_ref[...] = jnp.dot(h, w2_ref[...], preferred_element_type=jnp.float32) + b2_ref[...]


def _mlp(y2, w1a, w1b, b1, w2, b2):
    blk = 2000
    grid = _N // blk
    return pl.pallas_call(
        _mlp_body,
        grid=(grid,),
        in_specs=[
            pl.BlockSpec((_NC, blk, _FH), lambda i: (0, i, 0)),
            pl.BlockSpec((_FH, 64), lambda i: (0, 0)),
            pl.BlockSpec((_FH, 64), lambda i: (0, 0)),
            pl.BlockSpec((1, 64), lambda i: (0, 0)),
            pl.BlockSpec((64, 32), lambda i: (0, 0)),
            pl.BlockSpec((1, 32), lambda i: (0, 0)),
        ],
        out_specs=pl.BlockSpec((blk, 32), lambda i: (i, 0)),
        out_shape=jax.ShapeDtypeStruct((_N, 32), jnp.float32),
    )(y2, w1a, w1b, b1, w2, b2)


def kernel(x, edge_index, W1, b1, W2, b2):
    rows = edge_index[0]
    cols = edge_index[1]
    pad = _EPAD - _E
    fake = jnp.full((pad,), _DUMMY, dtype=jnp.int32)
    rows_p = jnp.concatenate([rows, fake]).reshape(_NS, _NECH, _BPC, _EB)
    cols_p = jnp.concatenate([cols, fake]).reshape(_NS, _NECH, _BPC, _EB)
    xp = jnp.pad(x, ((0, _NPAD - _N), (0, 0)))
    y2 = _grand_sc(xp, rows_p, cols_p)
    return _mlp(y2, W1[:_FH], W1[_FH:], b1.reshape(1, -1), W2, b2.reshape(1, -1))

# --- scband reference (transcript-rebuilt; emitter-appended) ---
"""Pipeline reference for scband-grand-60859686584873 (READ-ONLY COPY).

The authoritative reference and input builder live on the scoring server;
editing this copy changes nothing except your own understanding.
"""

import jax, jax.numpy as jnp
import numpy as np
import math

N = 10000
E = 320000
NFEAT = 128
NHID = 64
NCLASS = 32
ORDER = 8
DROP = 0.5


def setup_inputs(seed: int = 0) -> dict:
    key = jax.random.key(seed)
    k1, k2, k3, k4, k5, k6 = jax.random.split(key, 6)
    x = jax.random.normal(k1, (N, NFEAT), dtype=jnp.float32)
    edge_index = jax.random.randint(k2, (2, E), 0, N, dtype=jnp.int32)
    # MLPLayer.reset_parameters: normal_(-stdv, stdv) with stdv = 1/sqrt(out_features)
    stdv1 = 1.0 / math.sqrt(NHID)
    W1 = -stdv1 + stdv1 * jax.random.normal(k3, (NFEAT, NHID), dtype=jnp.float32)
    b1 = -stdv1 + stdv1 * jax.random.normal(k4, (NHID,), dtype=jnp.float32)
    stdv2 = 1.0 / math.sqrt(NCLASS)
    W2 = -stdv2 + stdv2 * jax.random.normal(k5, (NHID, NCLASS), dtype=jnp.float32)
    b2 = -stdv2 + stdv2 * jax.random.normal(k6, (NCLASS,), dtype=jnp.float32)
    return {"x": x, "edge_index": edge_index, "W1": W1, "b1": b1, "W2": W2, "b2": b2}


def reference(x, edge_index, W1, b1, W2, b2):
    n = x.shape[0]
    rows = edge_index[0]
    cols = edge_index[1]
    loop = jnp.arange(n, dtype=rows.dtype)
    # adj = A + I (coo with unit weights; duplicate edges accumulate)
    rows2 = jnp.concatenate([rows, loop])
    cols2 = jnp.concatenate([cols, loop])
    w = jnp.ones(rows2.shape[0], dtype=jnp.float32)
    # normalize_adj: rowsum degree, result = D^-1/2 A^T D^-1/2 (scipy code transposes)
    deg = jax.ops.segment_sum(w, rows2, num_segments=n)
    d_inv_sqrt = jnp.where(deg > 0, 1.0 / jnp.sqrt(deg), 0.0)
    wn = w * d_inv_sqrt[rows2] * d_inv_sqrt[cols2]
    # eval mode: x = x * (1 - drop_rate)
    xs = x * (1.0 - DROP)
    # propagate: y accumulates powers of normalized adjacency applied to x
    y = xs
    cur = xs
    for _ in range(ORDER):
        # spmm with the transposed-normalized adj: out[c] += wn_e * cur[r]
        cur = jax.ops.segment_sum(wn[:, None] * cur[rows2], cols2, num_segments=n)
        y = y + cur
    y = y / (ORDER + 1.0)
    y = jax.lax.stop_gradient(y)  # propagate() detaches its output
    # MLP (eval mode => dropout disabled, use_bn=False)
    h = jnp.maximum(y @ W1 + b1, 0.0)
    out = h @ W2 + b2
    return out

if __name__ == "__main__":
    import jax
    _d = setup_inputs()
    print(jax.jit(kernel)(*tuple(_d.values())))

</pallas_src>

<mosaic_0001>
#map = affine_map<(d0, d1) -> (0, 0)>
#map1 = affine_map<(d0, d1) -> (0, 0, 0, 0)>
#map2 = affine_map<(d0, d1) -> (0, 0, 0)>
module attributes {stable_mosaic.version = 14 : i64} {
  func.func @_grand_body(%arg0: i32, %arg1: i32, %arg2: memref<10240x128xf32, #tpu.memory_space<hbm>>, %arg3: memref<16x20x8x128xi32, #tpu.memory_space<hbm>>, %arg4: memref<16x20x8x128xi32, #tpu.memory_space<hbm>>, %arg5: memref<2x10240x64xf32, #tpu.memory_space<hbm>>, %arg6: memref<10240x64xf32, #tpu.memory_space<vmem_shared>>, %arg7: memref<10240x64xf32, #tpu.memory_space<vmem_shared>>, %arg8: memref<10240x16xf32, #tpu.memory_space<vmem_shared>>, %arg9: memref<8x128xi32, #tpu.memory_space<vmem>>, %arg10: memref<8x128xi32, #tpu.memory_space<vmem>>, %arg11: memref<128x64xf32, #tpu.memory_space<vmem>>, %arg12: memref<128x64xf32, #tpu.memory_space<vmem>>, %arg13: memref<32x64xf32, #tpu.memory_space<vmem>>, %arg14: memref<32x64xf32, #tpu.memory_space<vmem>>, %arg15: memref<32x64xf32, #tpu.memory_space<vmem>>, %arg16: memref<128x16xf32, #tpu.memory_space<vmem>>, %arg17: memref<32x16xf32, #tpu.memory_space<vmem>>, %arg18: memref<640x16xf32, #tpu.memory_space<vmem>>, %arg19: memref<!tpu.dma_semaphore, #tpu.memory_space<semaphore_mem>>, %arg20: memref<!tpu.dma_semaphore, #tpu.memory_space<semaphore_mem>>, %arg21: memref<!tpu.dma_semaphore, #tpu.memory_space<semaphore_mem>>, %arg22: memref<!tpu.dma_semaphore, #tpu.memory_space<semaphore_mem>>) attributes {dimension_semantics = [#tpu.dimension_semantics<core_parallel>, #tpu.dimension_semantics<subcore_parallel>], iteration_bounds = array<i64: 2, 16>, scalar_prefetch = 0 : i64, scratch_operands = 17 : i64, tpu.core_type = #tpu.core_type<sc_vector_subcore>, window_params = [{transform_indices = #map}, {transform_indices = #map1}, {transform_indices = #map1}, {transform_indices = #map2}]} {
    %mul3A = arith.constant 640 : i32
    %mul3A_0 = arith.muli %arg1, %mul3A : i32
    %broadcast_in_dim3A = arith.constant 0.000000e+00 : f32
    %broadcast_in_dim3A_1 = vector.broadcast %broadcast_in_dim3A : f32 to vector<16xf32>
    %add3A = arith.constant 1.000000e+00 : f32
    %add3A_2 = vector.broadcast %add3A : f32 to vector<16xf32>
    %add3A_3 = arith.addf %broadcast_in_dim3A_1, %add3A_2 : vector<16xf32>
    %scan3A = arith.constant 0 : i32
    %scan3A_4 = arith.constant 0 : i32
    %scan3A_5 = arith.constant 32 : i32
    %scan3A_6 = arith.addi %scan3A_4, %scan3A_5 : i32
    %scan3A_7 = arith.constant 1 : i32
    %scan3A_8 = scf.for %scan3A_54 = %scan3A_4 to %scan3A_6 step %scan3A_7 iter_args(%scan3A_55 = %scan3A) -> (i32)  : i32 {
      %swap3A = arith.index_cast %scan3A_54 : i32 to index
      %swap3A_56 = arith.constant 0 : index
      %swap3A_57 = tpu.vector_load %arg14[%swap3A, %swap3A_56] {strides = array<i32>} : memref<32x64xf32, #tpu.memory_space<vmem>>, vector<1x16xf32>,
      %swap3A_58 = vector.shape_cast %swap3A_57 : vector<1x16xf32> to vector<16xf32>
      %swap3A_59 = vector.shape_cast %broadcast_in_dim3A_1 : vector<16xf32> to vector<1x16xf32>
      tpu.vector_store %arg14[%swap3A, %swap3A_56], %swap3A_59 {strides = array<i32>} : memref<32x64xf32, #tpu.memory_space<vmem>>, vector<1x16xf32>,
      %swap3A_60 = arith.index_cast %scan3A_54 : i32 to index
      %swap3A_61 = arith.constant 16 : index
      %swap3A_62 = tpu.vector_load %arg14[%swap3A_60, %swap3A_61] {strides = array<i32>} : memref<32x64xf32, #tpu.memory_space<vmem>>, vector<1x16xf32>,
      %swap3A_63 = vector.shape_cast %swap3A_62 : vector<1x16xf32> to vector<16xf32>
      %swap3A_64 = vector.shape_cast %broadcast_in_dim3A_1 : vector<16xf32> to vector<1x16xf32>
      tpu.vector_store %arg14[%swap3A_60, %swap3A_61], %swap3A_64 {strides = array<i32>} : memref<32x64xf32, #tpu.memory_space<vmem>>, vector<1x16xf32>,
      %swap3A_65 = arith.index_cast %scan3A_54 : i32 to index
      %swap3A_66 = arith.constant 32 : index
      %swap3A_67 = tpu.vector_load %arg14[%swap3A_65, %swap3A_66] {strides = array<i32>} : memref<32x64xf32, #tpu.memory_space<vmem>>, vector<1x16xf32>,
      %swap3A_68 = vector.shape_cast %swap3A_67 : vector<1x16xf32> to vector<16xf32>
      %swap3A_69 = vector.shape_cast %broadcast_in_dim3A_1 : vector<16xf32> to vector<1x16xf32>
      tpu.vector_store %arg14[%swap3A_65, %swap3A_66], %swap3A_69 {strides = array<i32>} : memref<32x64xf32, #tpu.memory_space<vmem>>, vector<1x16xf32>,
      %swap3A_70 = arith.index_cast %scan3A_54 : i32 to index
      %swap3A_71 = arith.constant 48 : index
      %swap3A_72 = tpu.vector_load %arg14[%swap3A_70, %swap3A_71] {strides = array<i32>} : memref<32x64xf32, #tpu.memory_space<vmem>>, vector<1x16xf32>,
      %swap3A_73 = vector.shape_cast %swap3A_72 : vector<1x16xf32> to vector<16xf32>
      %swap3A_74 = vector.shape_cast %broadcast_in_dim3A_1 : vector<16xf32> to vector<1x16xf32>
      tpu.vector_store %arg14[%swap3A_70, %swap3A_71], %swap3A_74 {strides = array<i32>} : memref<32x64xf32, #tpu.memory_space<vmem>>, vector<1x16xf32>,
      %scan3A_75 = arith.constant 0 : i32
      scf.yield %scan3A_75 : i32
    }
    %scan3A_9 = arith.constant 32 : i32
    %scan3A_10 = arith.constant 0 : i32
    %scan3A_11 = arith.constant 0 : i32
    %scan3A_12 = arith.constant 128 : i32
    %scan3A_13 = arith.addi %scan3A_11, %scan3A_12 : i32
    %scan3A_14 = arith.constant 1 : i32
    %scan3A_15 = scf.for %scan3A_54 = %scan3A_11 to %scan3A_13 step %scan3A_14 iter_args(%scan3A_55 = %scan3A_10) -> (i32)  : i32 {
      %swap3A = arith.index_cast %scan3A_54 : i32 to index
      %swap3A_56 = arith.constant 0 : index
      %swap3A_57 = tpu.vector_load %arg16[%swap3A, %swap3A_56] {strides = array<i32>} : memref<128x16xf32, #tpu.memory_space<vmem>>, vector<1x16xf32>,
      %swap3A_58 = vector.shape_cast %swap3A_57 : vector<1x16xf32> to vector<16xf32>
      %swap3A_59 = vector.shape_cast %add3A_3 : vector<16xf32> to vector<1x16xf32>
      tpu.vector_store %arg16[%swap3A, %swap3A_56], %swap3A_59 {strides = array<i32>} : memref<128x16xf32, #tpu.memory_space<vmem>>, vector<1x16xf32>,
      %scan3A_60 = arith.constant 0 : i32
      scf.yield %scan3A_60 : i32
    }
    %scan3A_16 = arith.constant 128 : i32
    %scan3A_17 = arith.constant 0 : i32
    %scan3A_18 = arith.constant 0 : i32
    %scan3A_19 = arith.constant 20 : i32
    %scan3A_20 = arith.addi %scan3A_18, %scan3A_19 : i32
    %scan3A_21 = arith.constant 1 : i32
    %scan3A_22 = scf.for %scan3A_54 = %scan3A_18 to %scan3A_20 step %scan3A_21 iter_args(%scan3A_55 = %scan3A_17) -> (i32)  : i32 {
      %mul3A_56 = arith.constant 32 : i32
      %mul3A_57 = arith.muli %scan3A_54, %mul3A_56 : i32
      %add3A_58 = arith.addi %mul3A_0, %mul3A_57 : i32
      "tpu.region"() ({
        %run_scoped3A = tpu.sem_alloc : memref<!tpu.dma_semaphore, #tpu.memory_space<semaphore_mem>>
        %dma_start3A = arith.constant 0 : i32
        %dma_start3A_63 = tpu.memref_slice %arg7[%add3A_58, %dma_start3A] : memref<10240x64xf32, #tpu.memory_space<vmem_shared>> -> memref<32x64xf32, #tpu.memory_space<vmem_shared>>
        %dma_start3A_64 = arith.constant 0 : i32
        %dma_start3A_65 = tpu.memref_slice %arg7[%add3A_58, %dma_start3A_64] : memref<10240x64xf32, #tpu.memory_space<vmem_shared>> -> memref<32x64xf32, #tpu.memory_space<vmem_shared>>
        tpu.enqueue_dma source(%arg14 : memref<32x64xf32, #tpu.memory_space<vmem>>) target(%dma_start3A_65 : memref<32x64xf32, #tpu.memory_space<vmem_shared>>) target_semaphore(%run_scoped3A : memref<!tpu.dma_semaphore, #tpu.memory_space<semaphore_mem>>)
        %dma_wait3A = arith.constant 0 : i32
        %dma_wait3A_66 = tpu.memref_slice %arg7[%add3A_58, %dma_wait3A] : memref<10240x64xf32, #tpu.memory_space<vmem_shared>> -> memref<32x64xf32, #tpu.memory_space<vmem_shared>>
        %dma_wait3A_67 = arith.constant 0 : i32
        %dma_wait3A_68 = tpu.memref_slice %arg7[%add3A_58, %dma_wait3A_67] : memref<10240x64xf32, #tpu.memory_space<vmem_shared>> -> memref<32x64xf32, #tpu.memory_space<vmem_shared>>
        tpu.wait_dma2 semaphore(%run_scoped3A : memref<!tpu.dma_semaphore, #tpu.memory_space<semaphore_mem>>) src(%arg14 : memref<32x64xf32, #tpu.memory_space<vmem>>) dst(%dma_wait3A_68 : memref<32x64xf32, #tpu.memory_space<vmem_shared>>)
        tpu.yield
      }) : () -> ()
      %mul3A_59 = arith.constant 32 : i32
      %mul3A_60 = arith.muli %scan3A_54, %mul3A_59 : i32
      %add3A_61 = arith.addi %mul3A_0, %mul3A_60 : i32
      "tpu.region"() ({
        %run_scoped3A = tpu.sem_alloc : memref<!tpu.dma_semaphore, #tpu.memory_space<semaphore_mem>>
        %dma_start3A = arith.constant 0 : i32
        %dma_start3A_63 = arith.constant 0 : i32
        %dma_start3A_64 = tpu.memref_slice %arg14[%dma_start3A, %dma_start3A_63] : memref<32x64xf32, #tpu.memory_space<vmem>> -> memref<32x16xf32, #tpu.memory_space<vmem>>
        %dma_start3A_65 = arith.constant 0 : i32
        %dma_start3A_66 = tpu.memref_slice %arg8[%add3A_61, %dma_start3A_65] : memref<10240x16xf32, #tpu.memory_space<vmem_shared>> -> memref<32x16xf32, #tpu.memory_space<vmem_shared>>
        %dma_start3A_67 = arith.constant 0 : i32
        %dma_start3A_68 = tpu.memref_slice %arg8[%add3A_61, %dma_start3A_67] : memref<10240x16xf32, #tpu.memory_space<vmem_shared>> -> memref<32x16xf32, #tpu.memory_space<vmem_shared>>
        %dma_start3A_69 = arith.constant 0 : i32
        %dma_start3A_70 = arith.constant 0 : i32
        %dma_start3A_71 = tpu.memref_slice %arg14[%dma_start3A_69, %dma_start3A_70] : memref<32x64xf32, #tpu.memory_space<vmem>> -> memref<32x16xf32, #tpu.memory_space<vmem>>
        tpu.enqueue_dma source(%dma_start3A_71 : memref<32x16xf32, #tpu.memory_space<vmem>>) target(%dma_start3A_68 : memref<32x16xf32, #tpu.memory_space<vmem_shared>>) target_semaphore(%run_scoped3A : memref<!tpu.dma_semaphore, #tpu.memory_space<semaphore_mem>>)
        %dma_wait3A = arith.constant 0 : i32
        %dma_wait3A_72 = arith.constant 0 : i32
        %dma_wait3A_73 = tpu.memref_slice %arg14[%dma_wait3A, %dma_wait3A_72] : memref<32x64xf32, #tpu.memory_space<vmem>> -> memref<32x16xf32, #tpu.memory_space<vmem>>
        %dma_wait3A_74 = arith.constant 0 : i32
        %dma_wait3A_75 = tpu.memref_slice %arg8[%add3A_61, %dma_wait3A_74] : memref<10240x16xf32, #tpu.memory_space<vmem_shared>> -> memref<32x16xf32, #tpu.memory_space<vmem_shared>>
        %dma_wait3A_76 = arith.constant 0 : i32
        %dma_wait3A_77 = tpu.memref_slice %arg8[%add3A_61, %dma_wait3A_76] : memref<10240x16xf32, #tpu.memory_space<vmem_shared>> -> memref<32x16xf32, #tpu.memory_space<vmem_shared>>
        %dma_wait3A_78 = arith.constant 0 : i32
        %dma_wait3A_79 = arith.constant 0 : i32
        %dma_wait3A_80 = tpu.memref_slice %arg14[%dma_wait3A_78, %dma_wait3A_79] : memref<32x64xf32, #tpu.memory_space<vmem>> -> memref<32x16xf32, #tpu.memory_space<vmem>>
        tpu.wait_dma2 semaphore(%run_scoped3A : memref<!tpu.dma_semaphore, #tpu.memory_space<semaphore_mem>>) src(%dma_wait3A_80 : memref<32x16xf32, #tpu.memory_space<vmem>>) dst(%dma_wait3A_77 : memref<32x16xf32, #tpu.memory_space<vmem_shared>>)
        tpu.yield
      }) : () -> ()
      %scan3A_62 = arith.constant 0 : i32
      scf.yield %scan3A_62 : i32
    }
    %scan3A_23 = arith.constant 20 : i32
    %barrier3A = arith.constant 0 : index
    tpu.barrier barrier_id(%barrier3A)
    %scan3A_24 = arith.constant 0 : i32
    %scan3A_25 = arith.constant 0 : i32
    %scan3A_26 = arith.constant 20 : i32
    %scan3A_27 = arith.addi %scan3A_25, %scan3A_26 : i32
    %scan3A_28 = arith.constant 1 : i32
    %scan3A_29 = scf.for %scan3A_54 = %scan3A_25 to %scan3A_27 step %scan3A_28 iter_args(%scan3A_55 = %scan3A_24) -> (i32)  : i32 {
      "tpu.region"() ({
        %run_scoped3A = tpu.sem_alloc : memref<!tpu.dma_semaphore, #tpu.memory_space<semaphore_mem>>
        %dma_start3A = arith.constant 0 : i32
        %dma_start3A_71 = arith.constant 0 : i32
        %dma_start3A_72 = tpu.memref_slice %arg3[%arg1, %scan3A_54, %dma_start3A, %dma_start3A_71] : memref<16x20x8x128xi32, #tpu.memory_space<hbm>> -> memref<1x1x8x128xi32, #tpu.memory_space<hbm>>
        %dma_start3A_73 = tpu.memref_squeeze %dma_start3A_72 : memref<1x1x8x128xi32, #tpu.memory_space<hbm>> -> memref<8x128xi32, #tpu.memory_space<hbm>>
        %dma_start3A_74 = arith.constant 0 : i32
        %dma_start3A_75 = arith.constant 0 : i32
        %dma_start3A_76 = tpu.memref_slice %arg3[%arg1, %scan3A_54, %dma_start3A_74, %dma_start3A_75] : memref<16x20x8x128xi32, #tpu.memory_space<hbm>> -> memref<1x1x8x128xi32, #tpu.memory_space<hbm>>
        %dma_start3A_77 = tpu.memref_squeeze %dma_start3A_76 : memref<1x1x8x128xi32, #tpu.memory_space<hbm>> -> memref<8x128xi32, #tpu.memory_space<hbm>>
        tpu.enqueue_dma source(%dma_start3A_77 : memref<8x128xi32, #tpu.memory_space<hbm>>) target(%arg9 : memref<8x128xi32, #tpu.memory_space<vmem>>) target_semaphore(%run_scoped3A : memref<!tpu.dma_semaphore, #tpu.memory_space<semaphore_mem>>)
        %dma_wait3A = arith.constant 0 : i32
        %dma_wait3A_78 = arith.constant 0 : i32
        %dma_wait3A_79 = tpu.memref_slice %arg3[%arg1, %scan3A_54, %dma_wait3A, %dma_wait3A_78] : memref<16x20x8x128xi32, #tpu.memory_space<hbm>> -> memref<1x1x8x128xi32, #tpu.memory_space<hbm>>
        %dma_wait3A_80 = tpu.memref_squeeze %dma_wait3A_79 : memref<1x1x8x128xi32, #tpu.memory_space<hbm>> -> memref<8x128xi32, #tpu.memory_space<hbm>>
        %dma_wait3A_81 = arith.constant 0 : i32
        %dma_wait3A_82 = arith.constant 0 : i32
        %dma_wait3A_83 = tpu.memref_slice %arg3[%arg1, %scan3A_54, %dma_wait3A_81, %dma_wait3A_82] : memref<16x20x8x128xi32, #tpu.memory_space<hbm>> -> memref<1x1x8x128xi32, #tpu.memory_space<hbm>>
        %dma_wait3A_84 = tpu.memref_squeeze %dma_wait3A_83 : memref<1x1x8x128xi32, #tpu.memory_space<hbm>> -> memref<8x128xi32, #tpu.memory_space<hbm>>
        tpu.wait_dma2 semaphore(%run_scoped3A : memref<!tpu.dma_semaphore, #tpu.memory_space<semaphore_mem>>) src(%dma_wait3A_84 : memref<8x128xi32, #tpu.memory_space<hbm>>) dst(%arg9 : memref<8x128xi32, #tpu.memory_space<vmem>>)
        tpu.yield
      }) : () -> ()
      %scan3A_56 = arith.constant 0 : i32
      %scan3A_57 = arith.constant 0 : i32
      %scan3A_58 = arith.constant 8 : i32
      %scan3A_59 = arith.addi %scan3A_57, %scan3A_58 : i32
      %scan3A_60 = arith.constant 1 : i32
      %scan3A_61 = scf.for %scan3A_71 = %scan3A_57 to %scan3A_59 step %scan3A_60 iter_args(%scan3A_72 = %scan3A_56) -> (i32)  : i32 {
        %dma_start3A = arith.constant 0 : i32
        %dma_start3A_73 = tpu.memref_slice %arg9[%scan3A_71, %dma_start3A] : memref<8x128xi32, #tpu.memory_space<vmem>> -> memref<1x128xi32, #tpu.memory_space<vmem>>
        %dma_start3A_74 = tpu.memref_squeeze %dma_start3A_73 : memref<1x128xi32, #tpu.memory_space<vmem>> -> memref<128xi32, #tpu.memory_space<vmem>>
        %dma_start3A_75 = arith.constant 0 : i32
        %dma_start3A_76 = arith.constant 0 : i32
        %dma_start3A_77 = tpu.memref_slice %arg8[%dma_start3A_75, %dma_start3A_76] : memref<10240x16xf32, #tpu.memory_space<vmem_shared>> -> memref<10240x16xf32, #tpu.memory_space<vmem_shared>>
        tpu.enqueue_indirect_dma source(%arg16 : memref<128x16xf32, #tpu.memory_space<vmem>>) target(%dma_start3A_77 : memref<10240x16xf32, #tpu.memory_space<vmem_shared>>) offsets(%dma_start3A_74 : memref<128xi32, #tpu.memory_space<vmem>>) semaphore(%arg21 : memref<!tpu.dma_semaphore, #tpu.memory_space<semaphore_mem>>) {add = true}
        %scan3A_78 = arith.constant 0 : i32
        scf.yield %scan3A_78 : i32
      }
      %scan3A_62 = arith.constant 8 : i32
      %scan3A_63 = arith.constant 0 : i32
      %scan3A_64 = arith.constant 0 : i32
      %scan3A_65 = arith.constant 8 : i32
      %scan3A_66 = arith.addi %scan3A_64, %scan3A_65 : i32
      %scan3A_67 = arith.constant 1 : i32
      %scan3A_68 = scf.for %scan3A_71 = %scan3A_64 to %scan3A_66 step %scan3A_67 iter_args(%scan3A_72 = %scan3A_63) -> (i32)  : i32 {
        %dma_wait3A = arith.constant 0 : i32
        %dma_wait3A_73 = tpu.memref_slice %arg9[%scan3A_71, %dma_wait3A] : memref<8x128xi32, #tpu.memory_space<vmem>> -> memref<1x128xi32, #tpu.memory_space<vmem>>
        %dma_wait3A_74 = tpu.memref_squeeze %dma_wait3A_73 : memref<1x128xi32, #tpu.memory_space<vmem>> -> memref<128xi32, #tpu.memory_space<vmem>>
        %dma_wait3A_75 = arith.constant 0 : i32
        %dma_wait3A_76 = arith.constant 0 : i32
        %dma_wait3A_77 = tpu.memref_slice %arg8[%dma_wait3A_75, %dma_wait3A_76] : memref<10240x16xf32, #tpu.memory_space<vmem_shared>> -> memref<10240x16xf32, #tpu.memory_space<vmem_shared>>
        tpu.wait_indirect_dma semaphore(%arg21 : memref<!tpu.dma_semaphore, #tpu.memory_space<semaphore_mem>>) src(%arg16 : memref<128x16xf32, #tpu.memory_space<vmem>>) dst(%dma_wait3A_77 : memref<10240x16xf32, #tpu.memory_space<vmem_shared>>)
        %scan3A_78 = arith.constant 0 : i32
        scf.yield %scan3A_78 : i32
      }
      %scan3A_69 = arith.constant 8 : i32
      %scan3A_70 = arith.constant 0 : i32
      scf.yield %scan3A_70 : i32
    }
    %scan3A_30 = arith.constant 20 : i32
    %barrier3A_31 = arith.constant 0 : index
    tpu.barrier barrier_id(%barrier3A_31)
    %scan3A_32 = arith.constant 0 : i32
    %scan3A_33 = arith.constant 0 : i32
    %scan3A_34 = arith.constant 20 : i32
    %scan3A_35 = arith.addi %scan3A_33, %scan3A_34 : i32
    %scan3A_36 = arith.constant 1 : i32
    %scan3A_37 = scf.for %scan3A_54 = %scan3A_33 to %scan3A_35 step %scan3A_36 iter_args(%scan3A_55 = %scan3A_32) -> (i32)  : i32 {
      %mul3A_56 = arith.constant 32 : i32
      %mul3A_57 = arith.muli %scan3A_54, %mul3A_56 : i32
      %add3A_58 = arith.addi %mul3A_0, %mul3A_57 : i32
      "tpu.region"() ({
        %run_scoped3A = tpu.sem_alloc : memref<!tpu.dma_semaphore, #tpu.memory_space<semaphore_mem>>
        %dma_start3A = arith.constant 0 : i32
        %dma_start3A_67 = tpu.memref_slice %arg8[%add3A_58, %dma_start3A] : memref<10240x16xf32, #tpu.memory_space<vmem_shared>> -> memref<32x16xf32, #tpu.memory_space<vmem_shared>>
        %dma_start3A_68 = arith.constant 0 : i32
        %dma_start3A_69 = tpu.memref_slice %arg8[%add3A_58, %dma_start3A_68] : memref<10240x16xf32, #tpu.memory_space<vmem_shared>> -> memref<32x16xf32, #tpu.memory_space<vmem_shared>>
        tpu.enqueue_dma source(%dma_start3A_69 : memref<32x16xf32, #tpu.memory_space<vmem_shared>>) target(%arg17 : memref<32x16xf32, #tpu.memory_space<vmem>>) target_semaphore(%run_scoped3A : memref<!tpu.dma_semaphore, #tpu.memory_space<semaphore_mem>>)
        %dma_wait3A = arith.constant 0 : i32
        %dma_wait3A_70 = tpu.memref_slice %arg8[%add3A_58, %dma_wait3A] : memref<10240x16xf32, #tpu.memory_space<vmem_shared>> -> memref<32x16xf32, #tpu.memory_space<vmem_shared>>
        %dma_wait3A_71 = arith.constant 0 : i32
        %dma_wait3A_72 = tpu.memref_slice %arg8[%add3A_58, %dma_wait3A_71] : memref<10240x16xf32, #tpu.memory_space<vmem_shared>> -> memref<32x16xf32, #tpu.memory_space<vmem_shared>>
        tpu.wait_dma2 semaphore(%run_scoped3A : memref<!tpu.dma_semaphore, #tpu.memory_space<semaphore_mem>>) src(%dma_wait3A_72 : memref<32x16xf32, #tpu.memory_space<vmem_shared>>) dst(%arg17 : memref<32x16xf32, #tpu.memory_space<vmem>>)
        tpu.yield
      }) : () -> ()
      %scan3A_59 = arith.constant 0 : i32
      %scan3A_60 = arith.constant 0 : i32
      %scan3A_61 = arith.constant 32 : i32
      %scan3A_62 = arith.addi %scan3A_60, %scan3A_61 : i32
      %scan3A_63 = arith.constant 1 : i32
      %scan3A_64 = scf.for %scan3A_67 = %scan3A_60 to %scan3A_62 step %scan3A_63 iter_args(%scan3A_68 = %scan3A_59) -> (i32)  : i32 {
        %get3A = arith.index_cast %scan3A_67 : i32 to index
        %get3A_69 = arith.constant 0 : index
        %get3A_70 = tpu.vector_load %arg17[%get3A, %get3A_69] {strides = array<i32>} : memref<32x16xf32, #tpu.memory_space<vmem>>, vector<1x16xf32>,
        %get3A_71 = vector.shape_cast %get3A_70 : vector<1x16xf32> to vector<16xf32>
        %add3A_72 = arith.constant 1.000000e+00 : f32
        %add3A_73 = vector.broadcast %add3A_72 : f32 to vector<16xf32>
        %add3A_74 = arith.addf %get3A_71, %add3A_73 : vector<16xf32>
        %bitcast_convert_type3A = tpu.bitcast %add3A_74 : vector<16xf32> -> vector<16xi32>
        %shift_right_arithmetic3A = arith.constant 1 : i32
        %shift_right_arithmetic3A_75 = vector.broadcast %shift_right_arithmetic3A : i32 to vector<16xi32>
        %shift_right_arithmetic3A_76 = arith.shrsi %bitcast_convert_type3A, %shift_right_arithmetic3A_75 : vector<16xi32>
        %sub3A = arith.constant 1597463007 : i32
        %sub3A_77 = vector.broadcast %sub3A : i32 to vector<16xi32>
        %sub3A_78 = arith.subi %sub3A_77, %shift_right_arithmetic3A_76 : vector<16xi32>
        %bitcast_convert_type3A_79 = tpu.bitcast %sub3A_78 : vector<16xi32> -> vector<16xf32>
        %mul3A_80 = arith.constant 5.000000e-01 : f32
        %mul3A_81 = vector.broadcast %mul3A_80 : f32 to vector<16xf32>
        %mul3A_82 = arith.mulf %mul3A_81, %add3A_74 : vector<16xf32>
        %mul3A_83 = arith.mulf %mul3A_82, %bitcast_convert_type3A_79 : vector<16xf32>
        %mul3A_84 = arith.mulf %mul3A_83, %bitcast_convert_type3A_79 : vector<16xf32>
        %sub3A_85 = arith.constant 1.500000e+00 : f32
        %sub3A_86 = vector.broadcast %sub3A_85 : f32 to vector<16xf32>
        %sub3A_87 = arith.subf %sub3A_86, %mul3A_84 : vector<16xf32>
        %mul3A_88 = arith.mulf %bitcast_convert_type3A_79, %sub3A_87 : vector<16xf32>
        %mul3A_89 = arith.constant 5.000000e-01 : f32
        %mul3A_90 = vector.broadcast %mul3A_89 : f32 to vector<16xf32>
        %mul3A_91 = arith.mulf %mul3A_90, %add3A_74 : vector<16xf32>
        %mul3A_92 = arith.mulf %mul3A_91, %mul3A_88 : vector<16xf32>
        %mul3A_93 = arith.mulf %mul3A_92, %mul3A_88 : vector<16xf32>
        %sub3A_94 = arith.constant 1.500000e+00 : f32
        %sub3A_95 = vector.broadcast %sub3A_94 : f32 to vector<16xf32>
        %sub3A_96 = arith.subf %sub3A_95, %mul3A_93 : vector<16xf32>
        %mul3A_97 = arith.mulf %mul3A_88, %sub3A_96 : vector<16xf32>
        %mul3A_98 = arith.constant 5.000000e-01 : f32
        %mul3A_99 = vector.broadcast %mul3A_98 : f32 to vector<16xf32>
        %mul3A_100 = arith.mulf %mul3A_99, %add3A_74 : vector<16xf32>
        %mul3A_101 = arith.mulf %mul3A_100, %mul3A_97 : vector<16xf32>
        %mul3A_102 = arith.mulf %mul3A_101, %mul3A_97 : vector<16xf32>
        %sub3A_103 = arith.constant 1.500000e+00 : f32
        %sub3A_104 = vector.broadcast %sub3A_103 : f32 to vector<16xf32>
        %sub3A_105 = arith.subf %sub3A_104, %mul3A_102 : vector<16xf32>
        %mul3A_106 = arith.mulf %mul3A_97, %sub3A_105 : vector<16xf32>
        %mul3A_107 = arith.constant 32 : i32
        %mul3A_108 = arith.muli %scan3A_54, %mul3A_107 : i32
        %add3A_109 = arith.addi %mul3A_108, %scan3A_67 : i32
        %swap3A = arith.index_cast %add3A_109 : i32 to index
        %swap3A_110 = arith.constant 0 : index
        %swap3A_111 = tpu.vector_load %arg18[%swap3A, %swap3A_110] {strides = array<i32>} : memref<640x16xf32, #tpu.memory_space<vmem>>, vector<1x16xf32>,
        %swap3A_112 = vector.shape_cast %swap3A_111 : vector<1x16xf32> to vector<16xf32>
        %swap3A_113 = vector.shape_cast %mul3A_106 : vector<16xf32> to vector<1x16xf32>
        tpu.vector_store %arg18[%swap3A, %swap3A_110], %swap3A_113 {strides = array<i32>} : memref<640x16xf32, #tpu.memory_space<vmem>>, vector<1x16xf32>,
        %scan3A_114 = arith.constant 0 : i32
        scf.yield %scan3A_114 : i32
      }
      %scan3A_65 = arith.constant 32 : i32
      %scan3A_66 = arith.constant 0 : i32
      scf.yield %scan3A_66 : i32
    }
    %scan3A_38 = arith.constant 20 : i32
    %scan3A_39 = arith.constant 0 : i32
    %scan3A_40 = arith.constant 0 : i32
    %scan3A_41 = arith.constant 20 : i32
    %scan3A_42 = arith.addi %scan3A_40, %scan3A_41 : i32
    %scan3A_43 = arith.constant 1 : i32
    %scan3A_44 = scf.for %scan3A_54 = %scan3A_40 to %scan3A_42 step %scan3A_43 iter_args(%scan3A_55 = %scan3A_39) -> (i32)  : i32 {
      %mul3A_56 = arith.constant 32 : i32
      %mul3A_57 = arith.muli %scan3A_54, %mul3A_56 : i32
      %add3A_58 = arith.addi %mul3A_0, %mul3A_57 : i32
      %mul3A_59 = arith.constant 64 : i32
      %mul3A_60 = arith.muli %arg0, %mul3A_59 : i32
      "tpu.region"() ({
        %run_scoped3A = tpu.sem_alloc : memref<!tpu.dma_semaphore, #tpu.memory_space<semaphore_mem>>
        %dma_start3A = tpu.memref_slice %arg2[%add3A_58, %mul3A_60] : memref<10240x128xf32, #tpu.memory_space<hbm>> -> memref<32x64xf32, #tpu.memory_space<hbm>>
        %dma_start3A_69 = tpu.memref_slice %arg2[%add3A_58, %mul3A_60] : memref<10240x128xf32, #tpu.memory_space<hbm>> -> memref<32x64xf32, #tpu.memory_space<hbm>>
        tpu.enqueue_dma source(%dma_start3A_69 : memref<32x64xf32, #tpu.memory_space<hbm>>) target(%arg13 : memref<32x64xf32, #tpu.memory_space<vmem>>) target_semaphore(%run_scoped3A : memref<!tpu.dma_semaphore, #tpu.memory_space<semaphore_mem>>)
        %dma_wait3A = tpu.memref_slice %arg2[%add3A_58, %mul3A_60] : memref<10240x128xf32, #tpu.memory_space<hbm>> -> memref<32x64xf32, #tpu.memory_space<hbm>>
        %dma_wait3A_70 = tpu.memref_slice %arg2[%add3A_58, %mul3A_60] : memref<10240x128xf32, #tpu.memory_space<hbm>> -> memref<32x64xf32, #tpu.memory_space<hbm>>
        tpu.wait_dma2 semaphore(%run_scoped3A : memref<!tpu.dma_semaphore, #tpu.memory_space<semaphore_mem>>) src(%dma_wait3A_70 : memref<32x64xf32, #tpu.memory_space<hbm>>) dst(%arg13 : memref<32x64xf32, #tpu.memory_space<vmem>>)
        tpu.yield
      }) : () -> ()
      %scan3A_61 = arith.constant 0 : i32
      %scan3A_62 = arith.constant 0 : i32
      %scan3A_63 = arith.constant 32 : i32
      %scan3A_64 = arith.addi %scan3A_62, %scan3A_63 : i32
      %scan3A_65 = arith.constant 1 : i32
      %scan3A_66 = scf.for %scan3A_69 = %scan3A_62 to %scan3A_64 step %scan3A_65 iter_args(%scan3A_70 = %scan3A_61) -> (i32)  : i32 {
        %mul3A_71 = arith.constant 32 : i32
        %mul3A_72 = arith.muli %scan3A_54, %mul3A_71 : i32
        %add3A_73 = arith.addi %mul3A_72, %scan3A_69 : i32
        %get3A = arith.index_cast %add3A_73 : i32 to index
        %get3A_74 = arith.constant 0 : index
        %get3A_75 = tpu.vector_load %arg18[%get3A, %get3A_74] {strides = array<i32>} : memref<640x16xf32, #tpu.memory_space<vmem>>, vector<1x16xf32>,
        %get3A_76 = vector.shape_cast %get3A_75 : vector<1x16xf32> to vector<16xf32>
        %get3A_77 = arith.index_cast %scan3A_69 : i32 to index
        %get3A_78 = arith.constant 0 : index
        %get3A_79 = tpu.vector_load %arg13[%get3A_77, %get3A_78] {strides = array<i32>} : memref<32x64xf32, #tpu.memory_space<vmem>>, vector<1x16xf32>,
        %get3A_80 = vector.shape_cast %get3A_79 : vector<1x16xf32> to vector<16xf32>
        %mul3A_81 = arith.constant 5.000000e-01 : f32
        %mul3A_82 = vector.broadcast %mul3A_81 : f32 to vector<16xf32>
        %mul3A_83 = arith.mulf %mul3A_82, %get3A_80 : vector<16xf32>
        %mul3A_84 = arith.mulf %mul3A_83, %get3A_76 : vector<16xf32>
        %swap3A = arith.index_cast %scan3A_69 : i32 to index
        %swap3A_85 = arith.constant 0 : index
        %swap3A_86 = tpu.vector_load %arg14[%swap3A, %swap3A_85] {strides = array<i32>} : memref<32x64xf32, #tpu.memory_space<vmem>>, vector<1x16xf32>,
        %swap3A_87 = vector.shape_cast %swap3A_86 : vector<1x16xf32> to vector<16xf32>
        %swap3A_88 = vector.shape_cast %mul3A_84 : vector<16xf32> to vector<1x16xf32>
        tpu.vector_store %arg14[%swap3A, %swap3A_85], %swap3A_88 {strides = array<i32>} : memref<32x64xf32, #tpu.memory_space<vmem>>, vector<1x16xf32>,
        %mul3A_89 = arith.constant 5.000000e-01 : f32
        %mul3A_90 = vector.broadcast %mul3A_89 : f32 to vector<16xf32>
        %mul3A_91 = arith.mulf %mul3A_90, %get3A_80 : vector<16xf32>
        %swap3A_92 = arith.index_cast %scan3A_69 : i32 to index
        %swap3A_93 = arith.constant 0 : index
        %swap3A_94 = tpu.vector_load %arg15[%swap3A_92, %swap3A_93] {strides = array<i32>} : memref<32x64xf32, #tpu.memory_space<vmem>>, vector<1x16xf32>,
        %swap3A_95 = vector.shape_cast %swap3A_94 : vector<1x16xf32> to vector<16xf32>
        %swap3A_96 = vector.shape_cast %mul3A_91 : vector<16xf32> to vector<1x16xf32>
        tpu.vector_store %arg15[%swap3A_92, %swap3A_93], %swap3A_96 {strides = array<i32>} : memref<32x64xf32, #tpu.memory_space<vmem>>, vector<1x16xf32>,
        %get3A_97 = arith.index_cast %scan3A_69 : i32 to index
        %get3A_98 = arith.constant 16 : index
        %get3A_99 = tpu.vector_load %arg13[%get3A_97, %get3A_98] {strides = array<i32>} : memref<32x64xf32, #tpu.memory_space<vmem>>, vector<1x16xf32>,
        %get3A_100 = vector.shape_cast %get3A_99 : vector<1x16xf32> to vector<16xf32>
        %mul3A_101 = arith.constant 5.000000e-01 : f32
        %mul3A_102 = vector.broadcast %mul3A_101 : f32 to vector<16xf32>
        %mul3A_103 = arith.mulf %mul3A_102, %get3A_100 : vector<16xf32>
        %mul3A_104 = arith.mulf %mul3A_103, %get3A_76 : vector<16xf32>
        %swap3A_105 = arith.index_cast %scan3A_69 : i32 to index
        %swap3A_106 = arith.constant 16 : index
        %swap3A_107 = tpu.vector_load %arg14[%swap3A_105, %swap3A_106] {strides = array<i32>} : memref<32x64xf32, #tpu.memory_space<vmem>>, vector<1x16xf32>,
        %swap3A_108 = vector.shape_cast %swap3A_107 : vector<1x16xf32> to vector<16xf32>
        %swap3A_109 = vector.shape_cast %mul3A_104 : vector<16xf32> to vector<1x16xf32>
        tpu.vector_store %arg14[%swap3A_105, %swap3A_106], %swap3A_109 {strides = array<i32>} : memref<32x64xf32, #tpu.memory_space<vmem>>, vector<1x16xf32>,
        %mul3A_110 = arith.constant 5.000000e-01 : f32
        %mul3A_111 = vector.broadcast %mul3A_110 : f32 to vector<16xf32>
        %mul3A_112 = arith.mulf %mul3A_111, %get3A_100 : vector<16xf32>
        %swap3A_113 = arith.index_cast %scan3A_69 : i32 to index
        %swap3A_114 = arith.constant 16 : index
        %swap3A_115 = tpu.vector_load %arg15[%swap3A_113, %swap3A_114] {strides = array<i32>} : memref<32x64xf32, #tpu.memory_space<vmem>>, vector<1x16xf32>,
        %swap3A_116 = vector.shape_cast %swap3A_115 : vector<1x16xf32> to vector<16xf32>
        %swap3A_117 = vector.shape_cast %mul3A_112 : vector<16xf32> to vector<1x16xf32>
        tpu.vector_store %arg15[%swap3A_113, %swap3A_114], %swap3A_117 {strides = array<i32>} : memref<32x64xf32, #tpu.memory_space<vmem>>, vector<1x16xf32>,
        %get3A_118 = arith.index_cast %scan3A_69 : i32 to index
        %get3A_119 = arith.constant 32 : index
        %get3A_120 = tpu.vector_load %arg13[%get3A_118, %get3A_119] {strides = array<i32>} : memref<32x64xf32, #tpu.memory_space<vmem>>, vector<1x16xf32>,
        %get3A_121 = vector.shape_cast %get3A_120 : vector<1x16xf32> to vector<16xf32>
        %mul3A_122 = arith.constant 5.000000e-01 : f32
        %mul3A_123 = vector.broadcast %mul3A_122 : f32 to vector<16xf32>
        %mul3A_124 = arith.mulf %mul3A_123, %get3A_121 : vector<16xf32>
        %mul3A_125 = arith.mulf %mul3A_124, %get3A_76 : vector<16xf32>
        %swap3A_126 = arith.index_cast %scan3A_69 : i32 to index
        %swap3A_127 = arith.constant 32 : index
        %swap3A_128 = tpu.vector_load %arg14[%swap3A_126, %swap3A_127] {strides = array<i32>} : memref<32x64xf32, #tpu.memory_space<vmem>>, vector<1x16xf32>,
        %swap3A_129 = vector.shape_cast %swap3A_128 : vector<1x16xf32> to vector<16xf32>
        %swap3A_130 = vector.shape_cast %mul3A_125 : vector<16xf32> to vector<1x16xf32>
        tpu.vector_store %arg14[%swap3A_126, %swap3A_127], %swap3A_130 {strides = array<i32>} : memref<32x64xf32, #tpu.memory_space<vmem>>, vector<1x16xf32>,
        %mul3A_131 = arith.constant 5.000000e-01 : f32
        %mul3A_132 = vector.broadcast %mul3A_131 : f32 to vector<16xf32>
        %mul3A_133 = arith.mulf %mul3A_132, %get3A_121 : vector<16xf32>
        %swap3A_134 = arith.index_cast %scan3A_69 : i32 to index
        %swap3A_135 = arith.constant 32 : index
        %swap3A_136 = tpu.vector_load %arg15[%swap3A_134, %swap3A_135] {strides = array<i32>} : memref<32x64xf32, #tpu.memory_space<vmem>>, vector<1x16xf32>,
        %swap3A_137 = vector.shape_cast %swap3A_136 : vector<1x16xf32> to vector<16xf32>
        %swap3A_138 = vector.shape_cast %mul3A_133 : vector<16xf32> to vector<1x16xf32>
        tpu.vector_store %arg15[%swap3A_134, %swap3A_135], %swap3A_138 {strides = array<i32>} : memref<32x64xf32, #tpu.memory_space<vmem>>, vector<1x16xf32>,
        %get3A_139 = arith.index_cast %scan3A_69 : i32 to index
        %get3A_140 = arith.constant 48 : index
        %get3A_141 = tpu.vector_load %arg13[%get3A_139, %get3A_140] {strides = array<i32>} : memref<32x64xf32, #tpu.memory_space<vmem>>, vector<1x16xf32>,
        %get3A_142 = vector.shape_cast %get3A_141 : vector<1x16xf32> to vector<16xf32>
        %mul3A_143 = arith.constant 5.000000e-01 : f32
        %mul3A_144 = vector.broadcast %mul3A_143 : f32 to vector<16xf32>
        %mul3A_145 = arith.mulf %mul3A_144, %get3A_142 : vector<16xf32>
        %mul3A_146 = arith.mulf %mul3A_145, %get3A_76 : vector<16xf32>
        %swap3A_147 = arith.index_cast %scan3A_69 : i32 to index
        %swap3A_148 = arith.constant 48 : index
        %swap3A_149 = tpu.vector_load %arg14[%swap3A_147, %swap3A_148] {strides = array<i32>} : memref<32x64xf32, #tpu.memory_space<vmem>>, vector<1x16xf32>,
        %swap3A_150 = vector.shape_cast %swap3A_149 : vector<1x16xf32> to vector<16xf32>
        %swap3A_151 = vector.shape_cast %mul3A_146 : vector<16xf32> to vector<1x16xf32>
        tpu.vector_store %arg14[%swap3A_147, %swap3A_148], %swap3A_151 {strides = array<i32>} : memref<32x64xf32, #tpu.memory_space<vmem>>, vector<1x16xf32>,
        %mul3A_152 = arith.constant 5.000000e-01 : f32
        %mul3A_153 = vector.broadcast %mul3A_152 : f32 to vector<16xf32>
        %mul3A_154 = arith.mulf %mul3A_153, %get3A_142 : vector<16xf32>
        %swap3A_155 = arith.index_cast %scan3A_69 : i32 to index
        %swap3A_156 = arith.constant 48 : index
        %swap3A_157 = tpu.vector_load %arg15[%swap3A_155, %swap3A_156] {strides = array<i32>} : memref<32x64xf32, #tpu.memory_space<vmem>>, vector<1x16xf32>,
        %swap3A_158 = vector.shape_cast %swap3A_157 : vector<1x16xf32> to vector<16xf32>
        %swap3A_159 = vector.shape_cast %mul3A_154 : vector<16xf32> to vector<1x16xf32>
        tpu.vector_store %arg15[%swap3A_155, %swap3A_156], %swap3A_159 {strides = array<i32>} : memref<32x64xf32, #tpu.memory_space<vmem>>, vector<1x16xf32>,
        %scan3A_160 = arith.constant 0 : i32
        scf.yield %scan3A_160 : i32
      }
      %scan3A_67 = arith.constant 32 : i32
      "tpu.region"() ({
        %run_scoped3A = tpu.sem_alloc : memref<!tpu.dma_semaphore, #tpu.memory_space<semaphore_mem>>
        %dma_start3A = arith.constant 0 : i32
        %dma_start3A_69 = tpu.memref_slice %arg6[%add3A_58, %dma_start3A] : memref<10240x64xf32, #tpu.memory_space<vmem_shared>> -> memref<32x64xf32, #tpu.memory_space<vmem_shared>>
        %dma_start3A_70 = arith.constant 0 : i32
        %dma_start3A_71 = tpu.memref_slice %arg6[%add3A_58, %dma_start3A_70] : memref<10240x64xf32, #tpu.memory_space<vmem_shared>> -> memref<32x64xf32, #tpu.memory_space<vmem_shared>>
        tpu.enqueue_dma source(%arg14 : memref<32x64xf32, #tpu.memory_space<vmem>>) target(%dma_start3A_71 : memref<32x64xf32, #tpu.memory_space<vmem_shared>>) target_semaphore(%run_scoped3A : memref<!tpu.dma_semaphore, #tpu.memory_space<semaphore_mem>>)
        %dma_wait3A = arith.constant 0 : i32
        %dma_wait3A_72 = tpu.memref_slice %arg6[%add3A_58, %dma_wait3A] : memref<10240x64xf32, #tpu.memory_space<vmem_shared>> -> memref<32x64xf32, #tpu.memory_space<vmem_shared>>
        %dma_wait3A_73 = arith.constant 0 : i32
        %dma_wait3A_74 = tpu.memref_slice %arg6[%add3A_58, %dma_wait3A_73] : memref<10240x64xf32, #tpu.memory_space<vmem_shared>> -> memref<32x64xf32, #tpu.memory_space<vmem_shared>>
        tpu.wait_dma2 semaphore(%run_scoped3A : memref<!tpu.dma_semaphore, #tpu.memory_space<semaphore_mem>>) src(%arg14 : memref<32x64xf32, #tpu.memory_space<vmem>>) dst(%dma_wait3A_74 : memref<32x64xf32, #tpu.memory_space<vmem_shared>>)
        tpu.yield
      }) : () -> ()
      "tpu.region"() ({
        %run_scoped3A = tpu.sem_alloc : memref<!tpu.dma_semaphore, #tpu.memory_space<semaphore_mem>>
        %dma_start3A = arith.constant 0 : i32
        %dma_start3A_69 = tpu.memref_slice %arg5[%arg0, %add3A_58, %dma_start3A] : memref<2x10240x64xf32, #tpu.memory_space<hbm>> -> memref<1x32x64xf32, #tpu.memory_space<hbm>>
        %dma_start3A_70 = tpu.memref_squeeze %dma_start3A_69 : memref<1x32x64xf32, #tpu.memory_space<hbm>> -> memref<32x64xf32, #tpu.memory_space<hbm>>
        %dma_start3A_71 = arith.constant 0 : i32
        %dma_start3A_72 = tpu.memref_slice %arg5[%arg0, %add3A_58, %dma_start3A_71] : memref<2x10240x64xf32, #tpu.memory_space<hbm>> -> memref<1x32x64xf32, #tpu.memory_space<hbm>>
        %dma_start3A_73 = tpu.memref_squeeze %dma_start3A_72 : memref<1x32x64xf32, #tpu.memory_space<hbm>> -> memref<32x64xf32, #tpu.memory_space<hbm>>
        tpu.enqueue_dma source(%arg15 : memref<32x64xf32, #tpu.memory_space<vmem>>) target(%dma_start3A_73 : memref<32x64xf32, #tpu.memory_space<hbm>>) target_semaphore(%run_scoped3A : memref<!tpu.dma_semaphore, #tpu.memory_space<semaphore_mem>>)
        %dma_wait3A = arith.constant 0 : i32
        %dma_wait3A_74 = tpu.memref_slice %arg5[%arg0, %add3A_58, %dma_wait3A] : memref<2x10240x64xf32, #tpu.memory_space<hbm>> -> memref<1x32x64xf32, #tpu.memory_space<hbm>>
        %dma_wait3A_75 = tpu.memref_squeeze %dma_wait3A_74 : memref<1x32x64xf32, #tpu.memory_space<hbm>> -> memref<32x64xf32, #tpu.memory_space<hbm>>
        %dma_wait3A_76 = arith.constant 0 : i32
        %dma_wait3A_77 = tpu.memref_slice %arg5[%arg0, %add3A_58, %dma_wait3A_76] : memref<2x10240x64xf32, #tpu.memory_space<hbm>> -> memref<1x32x64xf32, #tpu.memory_space<hbm>>
        %dma_wait3A_78 = tpu.memref_squeeze %dma_wait3A_77 : memref<1x32x64xf32, #tpu.memory_space<hbm>> -> memref<32x64xf32, #tpu.memory_space<hbm>>
        tpu.wait_dma2 semaphore(%run_scoped3A : memref<!tpu.dma_semaphore, #tpu.memory_space<semaphore_mem>>) src(%arg15 : memref<32x64xf32, #tpu.memory_space<vmem>>) dst(%dma_wait3A_78 : memref<32x64xf32, #tpu.memory_space<hbm>>)
        tpu.yield
      }) : () -> ()
      %scan3A_68 = arith.constant 0 : i32
      scf.yield %scan3A_68 : i32
    }
    %scan3A_45 = arith.constant 20 : i32
    %barrier3A_46 = arith.constant 0 : index
    tpu.barrier barrier_id(%barrier3A_46)
    %scan3A_47 = arith.constant 0 : i32
    %scan3A_48 = arith.constant 0 : i32
    %scan3A_49 = arith.constant 8 : i32
    %scan3A_50 = arith.addi %scan3A_48, %scan3A_49 : i32
    %scan3A_51 = arith.constant 1 : i32
    %scan3A_52 = scf.for %scan3A_54 = %scan3A_48 to %scan3A_50 step %scan3A_51 iter_args(%scan3A_55 = %scan3A_47) -> (i32)  : i32 {
      %scan3A_56 = arith.constant 0 : i32
      %scan3A_57 = arith.constant 0 : i32
      %scan3A_58 = arith.constant 20 : i32
      %scan3A_59 = arith.addi %scan3A_57, %scan3A_58 : i32
      %scan3A_60 = arith.constant 1 : i32
      %scan3A_61 = scf.for %scan3A_73 = %scan3A_57 to %scan3A_59 step %scan3A_60 iter_args(%scan3A_74 = %scan3A_56) -> (i32)  : i32 {
        "tpu.region"() ({
          %run_scoped3A = tpu.sem_alloc : memref<!tpu.dma_semaphore, #tpu.memory_space<semaphore_mem>>
          %dma_start3A_109 = arith.constant 0 : i32
          %dma_start3A_110 = arith.constant 0 : i32
          %dma_start3A_111 = tpu.memref_slice %arg3[%arg1, %scan3A_73, %dma_start3A_109, %dma_start3A_110] : memref<16x20x8x128xi32, #tpu.memory_space<hbm>> -> memref<1x1x8x128xi32, #tpu.memory_space<hbm>>
          %dma_start3A_112 = tpu.memref_squeeze %dma_start3A_111 : memref<1x1x8x128xi32, #tpu.memory_space<hbm>> -> memref<8x128xi32, #tpu.memory_space<hbm>>
          %dma_start3A_113 = arith.constant 0 : i32
          %dma_start3A_114 = arith.constant 0 : i32
          %dma_start3A_115 = tpu.memref_slice %arg3[%arg1, %scan3A_73, %dma_start3A_113, %dma_start3A_114] : memref<16x20x8x128xi32, #tpu.memory_space<hbm>> -> memref<1x1x8x128xi32, #tpu.memory_space<hbm>>
          %dma_start3A_116 = tpu.memref_squeeze %dma_start3A_115 : memref<1x1x8x128xi32, #tpu.memory_space<hbm>> -> memref<8x128xi32, #tpu.memory_space<hbm>>
          tpu.enqueue_dma source(%dma_start3A_116 : memref<8x128xi32, #tpu.memory_space<hbm>>) target(%arg9 : memref<8x128xi32, #tpu.memory_space<vmem>>) target_semaphore(%run_scoped3A : memref<!tpu.dma_semaphore, #tpu.memory_space<semaphore_mem>>)
          %dma_wait3A_117 = arith.constant 0 : i32
          %dma_wait3A_118 = arith.constant 0 : i32
          %dma_wait3A_119 = tpu.memref_slice %arg3[%arg1, %scan3A_73, %dma_wait3A_117, %dma_wait3A_118] : memref<16x20x8x128xi32, #tpu.memory_space<hbm>> -> memref<1x1x8x128xi32, #tpu.memory_space<hbm>>
          %dma_wait3A_120 = tpu.memref_squeeze %dma_wait3A_119 : memref<1x1x8x128xi32, #tpu.memory_space<hbm>> -> memref<8x128xi32, #tpu.memory_space<hbm>>
          %dma_wait3A_121 = arith.constant 0 : i32
          %dma_wait3A_122 = arith.constant 0 : i32
          %dma_wait3A_123 = tpu.memref_slice %arg3[%arg1, %scan3A_73, %dma_wait3A_121, %dma_wait3A_122] : memref<16x20x8x128xi32, #tpu.memory_space<hbm>> -> memref<1x1x8x128xi32, #tpu.memory_space<hbm>>
          %dma_wait3A_124 = tpu.memref_squeeze %dma_wait3A_123 : memref<1x1x8x128xi32, #tpu.memory_space<hbm>> -> memref<8x128xi32, #tpu.memory_space<hbm>>
          tpu.wait_dma2 semaphore(%run_scoped3A : memref<!tpu.dma_semaphore, #tpu.memory_space<semaphore_mem>>) src(%dma_wait3A_124 : memref<8x128xi32, #tpu.memory_space<hbm>>) dst(%arg9 : memref<8x128xi32, #tpu.memory_space<vmem>>)
          tpu.yield
        }) : () -> ()
        "tpu.region"() ({
          %run_scoped3A = tpu.sem_alloc : memref<!tpu.dma_semaphore, #tpu.memory_space<semaphore_mem>>
          %dma_start3A_109 = arith.constant 0 : i32
          %dma_start3A_110 = arith.constant 0 : i32
          %dma_start3A_111 = tpu.memref_slice %arg4[%arg1, %scan3A_73, %dma_start3A_109, %dma_start3A_110] : memref<16x20x8x128xi32, #tpu.memory_space<hbm>> -> memref<1x1x8x128xi32, #tpu.memory_space<hbm>>
          %dma_start3A_112 = tpu.memref_squeeze %dma_start3A_111 : memref<1x1x8x128xi32, #tpu.memory_space<hbm>> -> memref<8x128xi32, #tpu.memory_space<hbm>>
          %dma_start3A_113 = arith.constant 0 : i32
          %dma_start3A_114 = arith.constant 0 : i32
          %dma_start3A_115 = tpu.memref_slice %arg4[%arg1, %scan3A_73, %dma_start3A_113, %dma_start3A_114] : memref<16x20x8x128xi32, #tpu.memory_space<hbm>> -> memref<1x1x8x128xi32, #tpu.memory_space<hbm>>
          %dma_start3A_116 = tpu.memref_squeeze %dma_start3A_115 : memref<1x1x8x128xi32, #tpu.memory_space<hbm>> -> memref<8x128xi32, #tpu.memory_space<hbm>>
          tpu.enqueue_dma source(%dma_start3A_116 : memref<8x128xi32, #tpu.memory_space<hbm>>) target(%arg10 : memref<8x128xi32, #tpu.memory_space<vmem>>) target_semaphore(%run_scoped3A : memref<!tpu.dma_semaphore, #tpu.memory_space<semaphore_mem>>)
          %dma_wait3A_117 = arith.constant 0 : i32
          %dma_wait3A_118 = arith.constant 0 : i32
          %dma_wait3A_119 = tpu.memref_slice %arg4[%arg1, %scan3A_73, %dma_wait3A_117, %dma_wait3A_118] : memref<16x20x8x128xi32, #tpu.memory_space<hbm>> -> memref<1x1x8x128xi32, #tpu.memory_space<hbm>>
          %dma_wait3A_120 = tpu.memref_squeeze %dma_wait3A_119 : memref<1x1x8x128xi32, #tpu.memory_space<hbm>> -> memref<8x128xi32, #tpu.memory_space<hbm>>
          %dma_wait3A_121 = arith.constant 0 : i32
          %dma_wait3A_122 = arith.constant 0 : i32
          %dma_wait3A_123 = tpu.memref_slice %arg4[%arg1, %scan3A_73, %dma_wait3A_121, %dma_wait3A_122] : memref<16x20x8x128xi32, #tpu.memory_space<hbm>> -> memref<1x1x8x128xi32, #tpu.memory_space<hbm>>
          %dma_wait3A_124 = tpu.memref_squeeze %dma_wait3A_123 : memref<1x1x8x128xi32, #tpu.memory_space<hbm>> -> memref<8x128xi32, #tpu.memory_space<hbm>>
          tpu.wait_dma2 semaphore(%run_scoped3A : memref<!tpu.dma_semaphore, #tpu.memory_space<semaphore_mem>>) src(%dma_wait3A_124 : memref<8x128xi32, #tpu.memory_space<hbm>>) dst(%arg10 : memref<8x128xi32, #tpu.memory_space<vmem>>)
          tpu.yield
        }) : () -> ()
        %dma_start3A = arith.constant 0 : i32
        %dma_start3A_75 = arith.constant 0 : i32
        %dma_start3A_76 = tpu.memref_slice %arg9[%dma_start3A, %dma_start3A_75] : memref<8x128xi32, #tpu.memory_space<vmem>> -> memref<1x128xi32, #tpu.memory_space<vmem>>
        %dma_start3A_77 = tpu.memref_squeeze %dma_start3A_76 : memref<1x128xi32, #tpu.memory_space<vmem>> -> memref<128xi32, #tpu.memory_space<vmem>>
        %dma_start3A_78 = arith.constant 0 : i32
        %dma_start3A_79 = arith.constant 0 : i32
        %dma_start3A_80 = tpu.memref_slice %arg6[%dma_start3A_78, %dma_start3A_79] : memref<10240x64xf32, #tpu.memory_space<vmem_shared>> -> memref<10240x64xf32, #tpu.memory_space<vmem_shared>>
        tpu.enqueue_indirect_dma source(%dma_start3A_80 : memref<10240x64xf32, #tpu.memory_space<vmem_shared>>) target(%arg11 : memref<128x64xf32, #tpu.memory_space<vmem>>) offsets(%dma_start3A_77 : memref<128xi32, #tpu.memory_space<vmem>>) semaphore(%arg19 : memref<!tpu.dma_semaphore, #tpu.memory_space<semaphore_mem>>)
        %dma_start3A_81 = arith.constant 1 : i32
        %dma_start3A_82 = arith.constant 0 : i32
        %dma_start3A_83 = tpu.memref_slice %arg9[%dma_start3A_81, %dma_start3A_82] : memref<8x128xi32, #tpu.memory_space<vmem>> -> memref<1x128xi32, #tpu.memory_space<vmem>>
        %dma_start3A_84 = tpu.memref_squeeze %dma_start3A_83 : memref<1x128xi32, #tpu.memory_space<vmem>> -> memref<128xi32, #tpu.memory_space<vmem>>
        %dma_start3A_85 = arith.constant 0 : i32
        %dma_start3A_86 = arith.constant 0 : i32
        %dma_start3A_87 = tpu.memref_slice %arg6[%dma_start3A_85, %dma_start3A_86] : memref<10240x64xf32, #tpu.memory_space<vmem_shared>> -> memref<10240x64xf32, #tpu.memory_space<vmem_shared>>
        tpu.enqueue_indirect_dma source(%dma_start3A_87 : memref<10240x64xf32, #tpu.memory_space<vmem_shared>>) target(%arg12 : memref<128x64xf32, #tpu.memory_space<vmem>>) offsets(%dma_start3A_84 : memref<128xi32, #tpu.memory_space<vmem>>) semaphore(%arg20 : memref<!tpu.dma_semaphore, #tpu.memory_space<semaphore_mem>>)
        %scan3A_88 = arith.constant 0 : i32
        %scan3A_89 = arith.constant 0 : i32
        %scan3A_90 = arith.constant 4 : i32
        %scan3A_91 = arith.addi %scan3A_89, %scan3A_90 : i32
        %scan3A_92 = arith.constant 1 : i32
        %scan3A_93 = scf.for %scan3A_109 = %scan3A_89 to %scan3A_91 step %scan3A_92 iter_args(%scan3A_110 = %scan3A_88) -> (i32)  : i32 {
          %mul3A_111 = arith.constant 2 : i32
          %mul3A_112 = arith.muli %mul3A_111, %scan3A_109 : i32
          %mul3A_113 = arith.constant 2 : i32
          %mul3A_114 = arith.muli %mul3A_113, %scan3A_109 : i32
          %add3A_115 = arith.constant 1 : i32
          %add3A_116 = arith.addi %mul3A_114, %add3A_115 : i32
          %dma_wait3A_117 = arith.constant 0 : i32
          %dma_wait3A_118 = tpu.memref_slice %arg9[%mul3A_112, %dma_wait3A_117] : memref<8x128xi32, #tpu.memory_space<vmem>> -> memref<1x128xi32, #tpu.memory_space<vmem>>
          %dma_wait3A_119 = tpu.memref_squeeze %dma_wait3A_118 : memref<1x128xi32, #tpu.memory_space<vmem>> -> memref<128xi32, #tpu.memory_space<vmem>>
          %dma_wait3A_120 = arith.constant 0 : i32
          %dma_wait3A_121 = arith.constant 0 : i32
          %dma_wait3A_122 = tpu.memref_slice %arg6[%dma_wait3A_120, %dma_wait3A_121] : memref<10240x64xf32, #tpu.memory_space<vmem_shared>> -> memref<10240x64xf32, #tpu.memory_space<vmem_shared>>
          tpu.wait_indirect_dma semaphore(%arg19 : memref<!tpu.dma_semaphore, #tpu.memory_space<semaphore_mem>>) src(%dma_wait3A_122 : memref<10240x64xf32, #tpu.memory_space<vmem_shared>>) dst(%arg11 : memref<128x64xf32, #tpu.memory_space<vmem>>)
          %dma_start3A_123 = arith.constant 0 : i32
          %dma_start3A_124 = tpu.memref_slice %arg10[%mul3A_112, %dma_start3A_123] : memref<8x128xi32, #tpu.memory_space<vmem>> -> memref<1x128xi32, #tpu.memory_space<vmem>>
          %dma_start3A_125 = tpu.memref_squeeze %dma_start3A_124 : memref<1x128xi32, #tpu.memory_space<vmem>> -> memref<128xi32, #tpu.memory_space<vmem>>
          %dma_start3A_126 = arith.constant 0 : i32
          %dma_start3A_127 = arith.constant 0 : i32
          %dma_start3A_128 = tpu.memref_slice %arg7[%dma_start3A_126, %dma_start3A_127] : memref<10240x64xf32, #tpu.memory_space<vmem_shared>> -> memref<10240x64xf32, #tpu.memory_space<vmem_shared>>
          tpu.enqueue_indirect_dma source(%arg11 : memref<128x64xf32, #tpu.memory_space<vmem>>) target(%dma_start3A_128 : memref<10240x64xf32, #tpu.memory_space<vmem_shared>>) offsets(%dma_start3A_125 : memref<128xi32, #tpu.memory_space<vmem>>) semaphore(%arg21 : memref<!tpu.dma_semaphore, #tpu.memory_space<semaphore_mem>>) {add = true}
          %dma_wait3A_129 = arith.constant 0 : i32
          %dma_wait3A_130 = tpu.memref_slice %arg9[%add3A_116, %dma_wait3A_129] : memref<8x128xi32, #tpu.memory_space<vmem>> -> memref<1x128xi32, #tpu.memory_space<vmem>>
          %dma_wait3A_131 = tpu.memref_squeeze %dma_wait3A_130 : memref<1x128xi32, #tpu.memory_space<vmem>> -> memref<128xi32, #tpu.memory_space<vmem>>
          %dma_wait3A_132 = arith.constant 0 : i32
          %dma_wait3A_133 = arith.constant 0 : i32
          %dma_wait3A_134 = tpu.memref_slice %arg6[%dma_wait3A_132, %dma_wait3A_133] : memref<10240x64xf32, #tpu.memory_space<vmem_shared>> -> memref<10240x64xf32, #tpu.memory_space<vmem_shared>>
          tpu.wait_indirect_dma semaphore(%arg20 : memref<!tpu.dma_semaphore, #tpu.memory_space<semaphore_mem>>) src(%dma_wait3A_134 : memref<10240x64xf32, #tpu.memory_space<vmem_shared>>) dst(%arg12 : memref<128x64xf32, #tpu.memory_space<vmem>>)
          %dma_start3A_135 = arith.constant 0 : i32
          %dma_start3A_136 = tpu.memref_slice %arg10[%add3A_116, %dma_start3A_135] : memref<8x128xi32, #tpu.memory_space<vmem>> -> memref<1x128xi32, #tpu.memory_space<vmem>>
          %dma_start3A_137 = tpu.memref_squeeze %dma_start3A_136 : memref<1x128xi32, #tpu.memory_space<vmem>> -> memref<128xi32, #tpu.memory_space<vmem>>
          %dma_start3A_138 = arith.constant 0 : i32
          %dma_start3A_139 = arith.constant 0 : i32
          %dma_start3A_140 = tpu.memref_slice %arg7[%dma_start3A_138, %dma_start3A_139] : memref<10240x64xf32, #tpu.memory_space<vmem_shared>> -> memref<10240x64xf32, #tpu.memory_space<vmem_shared>>
          tpu.enqueue_indirect_dma source(%arg12 : memref<128x64xf32, #tpu.memory_space<vmem>>) target(%dma_start3A_140 : memref<10240x64xf32, #tpu.memory_space<vmem_shared>>) offsets(%dma_start3A_137 : memref<128xi32, #tpu.memory_space<vmem>>) semaphore(%arg22 : memref<!tpu.dma_semaphore, #tpu.memory_space<semaphore_mem>>) {add = true}
          %lt3A = arith.constant 3 : i32
          %lt3A_141 = arith.cmpi slt, %scan3A_109, %lt3A : i32
          %convert_element_type3A = arith.extui %lt3A_141 : i1 to i32
          %cond3A = arith.constant 0 : i32
          %cond3A_142 = arith.cmpi ne, %convert_element_type3A, %cond3A : i32
          scf.if %cond3A_142 {
            %dma_wait3A_144 = arith.constant 0 : i32
            %dma_wait3A_145 = tpu.memref_slice %arg10[%mul3A_112, %dma_wait3A_144] : memref<8x128xi32, #tpu.memory_space<vmem>> -> memref<1x128xi32, #tpu.memory_space<vmem>>
            %dma_wait3A_146 = tpu.memref_squeeze %dma_wait3A_145 : memref<1x128xi32, #tpu.memory_space<vmem>> -> memref<128xi32, #tpu.memory_space<vmem>>
            %dma_wait3A_147 = arith.constant 0 : i32
            %dma_wait3A_148 = arith.constant 0 : i32
            %dma_wait3A_149 = tpu.memref_slice %arg7[%dma_wait3A_147, %dma_wait3A_148] : memref<10240x64xf32, #tpu.memory_space<vmem_shared>> -> memref<10240x64xf32, #tpu.memory_space<vmem_shared>>
            tpu.wait_indirect_dma semaphore(%arg21 : memref<!tpu.dma_semaphore, #tpu.memory_space<semaphore_mem>>) src(%arg11 : memref<128x64xf32, #tpu.memory_space<vmem>>) dst(%dma_wait3A_149 : memref<10240x64xf32, #tpu.memory_space<vmem_shared>>)
            %add3A_150 = arith.constant 2 : i32
            %add3A_151 = arith.addi %mul3A_112, %add3A_150 : i32
            %dma_start3A_152 = arith.constant 0 : i32
            %dma_start3A_153 = tpu.memref_slice %arg9[%add3A_151, %dma_start3A_152] : memref<8x128xi32, #tpu.memory_space<vmem>> -> memref<1x128xi32, #tpu.memory_space<vmem>>
            %dma_start3A_154 = tpu.memref_squeeze %dma_start3A_153 : memref<1x128xi32, #tpu.memory_space<vmem>> -> memref<128xi32, #tpu.memory_space<vmem>>
            %dma_start3A_155 = arith.constant 0 : i32
            %dma_start3A_156 = arith.constant 0 : i32
            %dma_start3A_157 = tpu.memref_slice %arg6[%dma_start3A_155, %dma_start3A_156] : memref<10240x64xf32, #tpu.memory_space<vmem_shared>> -> memref<10240x64xf32, #tpu.memory_space<vmem_shared>>
            tpu.enqueue_indirect_dma source(%dma_start3A_157 : memref<10240x64xf32, #tpu.memory_space<vmem_shared>>) target(%arg11 : memref<128x64xf32, #tpu.memory_space<vmem>>) offsets(%dma_start3A_154 : memref<128xi32, #tpu.memory_space<vmem>>) semaphore(%arg19 : memref<!tpu.dma_semaphore, #tpu.memory_space<semaphore_mem>>)
            %dma_wait3A_158 = arith.constant 0 : i32
            %dma_wait3A_159 = tpu.memref_slice %arg10[%add3A_116, %dma_wait3A_158] : memref<8x128xi32, #tpu.memory_space<vmem>> -> memref<1x128xi32, #tpu.memory_space<vmem>>
            %dma_wait3A_160 = tpu.memref_squeeze %dma_wait3A_159 : memref<1x128xi32, #tpu.memory_space<vmem>> -> memref<128xi32, #tpu.memory_space<vmem>>
            %dma_wait3A_161 = arith.constant 0 : i32
            %dma_wait3A_162 = arith.constant 0 : i32
            %dma_wait3A_163 = tpu.memref_slice %arg7[%dma_wait3A_161, %dma_wait3A_162] : memref<10240x64xf32, #tpu.memory_space<vmem_shared>> -> memref<10240x64xf32, #tpu.memory_space<vmem_shared>>
            tpu.wait_indirect_dma semaphore(%arg22 : memref<!tpu.dma_semaphore, #tpu.memory_space<semaphore_mem>>) src(%arg12 : memref<128x64xf32, #tpu.memory_space<vmem>>) dst(%dma_wait3A_163 : memref<10240x64xf32, #tpu.memory_space<vmem_shared>>)
            %add3A_164 = arith.constant 2 : i32
            %add3A_165 = arith.addi %add3A_116, %add3A_164 : i32
            %dma_start3A_166 = arith.constant 0 : i32
            %dma_start3A_167 = tpu.memref_slice %arg9[%add3A_165, %dma_start3A_166] : memref<8x128xi32, #tpu.memory_space<vmem>> -> memref<1x128xi32, #tpu.memory_space<vmem>>
            %dma_start3A_168 = tpu.memref_squeeze %dma_start3A_167 : memref<1x128xi32, #tpu.memory_space<vmem>> -> memref<128xi32, #tpu.memory_space<vmem>>
            %dma_start3A_169 = arith.constant 0 : i32
            %dma_start3A_170 = arith.constant 0 : i32
            %dma_start3A_171 = tpu.memref_slice %arg6[%dma_start3A_169, %dma_start3A_170] : memref<10240x64xf32, #tpu.memory_space<vmem_shared>> -> memref<10240x64xf32, #tpu.memory_space<vmem_shared>>
            tpu.enqueue_indirect_dma source(%dma_start3A_171 : memref<10240x64xf32, #tpu.memory_space<vmem_shared>>) target(%arg12 : memref<128x64xf32, #tpu.memory_space<vmem>>) offsets(%dma_start3A_168 : memref<128xi32, #tpu.memory_space<vmem>>) semaphore(%arg20 : memref<!tpu.dma_semaphore, #tpu.memory_space<semaphore_mem>>)
          } else {
          }
          %scan3A_143 = arith.constant 0 : i32
          scf.yield %scan3A_143 : i32
        }
        %scan3A_94 = arith.constant 4 : i32
        %dma_wait3A = arith.constant 6 : i32
        %dma_wait3A_95 = arith.constant 0 : i32
        %dma_wait3A_96 = tpu.memref_slice %arg10[%dma_wait3A, %dma_wait3A_95] : memref<8x128xi32, #tpu.memory_space<vmem>> -> memref<1x128xi32, #tpu.memory_space<vmem>>
        %dma_wait3A_97 = tpu.memref_squeeze %dma_wait3A_96 : memref<1x128xi32, #tpu.memory_space<vmem>> -> memref<128xi32, #tpu.memory_space<vmem>>
        %dma_wait3A_98 = arith.constant 0 : i32
        %dma_wait3A_99 = arith.constant 0 : i32
        %dma_wait3A_100 = tpu.memref_slice %arg7[%dma_wait3A_98, %dma_wait3A_99] : memref<10240x64xf32, #tpu.memory_space<vmem_shared>> -> memref<10240x64xf32, #tpu.memory_space<vmem_shared>>
        tpu.wait_indirect_dma semaphore(%arg21 : memref<!tpu.dma_semaphore, #tpu.memory_space<semaphore_mem>>) src(%arg11 : memref<128x64xf32, #tpu.memory_space<vmem>>) dst(%dma_wait3A_100 : memref<10240x64xf32, #tpu.memory_space<vmem_shared>>)
        %dma_wait3A_101 = arith.constant 7 : i32
        %dma_wait3A_102 = arith.constant 0 : i32
        %dma_wait3A_103 = tpu.memref_slice %arg10[%dma_wait3A_101, %dma_wait3A_102] : memref<8x128xi32, #tpu.memory_space<vmem>> -> memref<1x128xi32, #tpu.memory_space<vmem>>
        %dma_wait3A_104 = tpu.memref_squeeze %dma_wait3A_103 : memref<1x128xi32, #tpu.memory_space<vmem>> -> memref<128xi32, #tpu.memory_space<vmem>>
        %dma_wait3A_105 = arith.constant 0 : i32
        %dma_wait3A_106 = arith.constant 0 : i32
        %dma_wait3A_107 = tpu.memref_slice %arg7[%dma_wait3A_105, %dma_wait3A_106] : memref<10240x64xf32, #tpu.memory_space<vmem_shared>> -> memref<10240x64xf32, #tpu.memory_space<vmem_shared>>
        tpu.wait_indirect_dma semaphore(%arg22 : memref<!tpu.dma_semaphore, #tpu.memory_space<semaphore_mem>>) src(%arg12 : memref<128x64xf32, #tpu.memory_space<vmem>>) dst(%dma_wait3A_107 : memref<10240x64xf32, #tpu.memory_space<vmem_shared>>)
        %scan3A_108 = arith.constant 0 : i32
        scf.yield %scan3A_108 : i32
      }
      %scan3A_62 = arith.constant 20 : i32
      %barrier3A_63 = arith.constant 0 : index
      tpu.barrier barrier_id(%barrier3A_63)
      %scan3A_64 = arith.constant 0 : i32
      %scan3A_65 = arith.constant 0 : i32
      %scan3A_66 = arith.constant 20 : i32
      %scan3A_67 = arith.addi %scan3A_65, %scan3A_66 : i32
      %scan3A_68 = arith.constant 1 : i32
      %scan3A_69 = scf.for %scan3A_73 = %scan3A_65 to %scan3A_67 step %scan3A_68 iter_args(%scan3A_74 = %scan3A_64) -> (i32)  : i32 {
        %mul3A_75 = arith.constant 32 : i32
        %mul3A_76 = arith.muli %scan3A_73, %mul3A_75 : i32
        %add3A_77 = arith.addi %mul3A_0, %mul3A_76 : i32
        "tpu.region"() ({
          %run_scoped3A = tpu.sem_alloc : memref<!tpu.dma_semaphore, #tpu.memory_space<semaphore_mem>>
          %dma_start3A = arith.constant 0 : i32
          %dma_start3A_86 = tpu.memref_slice %arg7[%add3A_77, %dma_start3A] : memref<10240x64xf32, #tpu.memory_space<vmem_shared>> -> memref<32x64xf32, #tpu.memory_space<vmem_shared>>
          %dma_start3A_87 = arith.constant 0 : i32
          %dma_start3A_88 = tpu.memref_slice %arg7[%add3A_77, %dma_start3A_87] : memref<10240x64xf32, #tpu.memory_space<vmem_shared>> -> memref<32x64xf32, #tpu.memory_space<vmem_shared>>
          tpu.enqueue_dma source(%dma_start3A_88 : memref<32x64xf32, #tpu.memory_space<vmem_shared>>) target(%arg13 : memref<32x64xf32, #tpu.memory_space<vmem>>) target_semaphore(%run_scoped3A : memref<!tpu.dma_semaphore, #tpu.memory_space<semaphore_mem>>)
          %dma_wait3A = arith.constant 0 : i32
          %dma_wait3A_89 = tpu.memref_slice %arg7[%add3A_77, %dma_wait3A] : memref<10240x64xf32, #tpu.memory_space<vmem_shared>> -> memref<32x64xf32, #tpu.memory_space<vmem_shared>>
          %dma_wait3A_90 = arith.constant 0 : i32
          %dma_wait3A_91 = tpu.memref_slice %arg7[%add3A_77, %dma_wait3A_90] : memref<10240x64xf32, #tpu.memory_space<vmem_shared>> -> memref<32x64xf32, #tpu.memory_space<vmem_shared>>
          tpu.wait_dma2 semaphore(%run_scoped3A : memref<!tpu.dma_semaphore, #tpu.memory_space<semaphore_mem>>) src(%dma_wait3A_91 : memref<32x64xf32, #tpu.memory_space<vmem_shared>>) dst(%arg13 : memref<32x64xf32, #tpu.memory_space<vmem>>)
          tpu.yield
        }) : () -> ()
        "tpu.region"() ({
          %run_scoped3A = tpu.sem_alloc : memref<!tpu.dma_semaphore, #tpu.memory_space<semaphore_mem>>
          %dma_start3A = arith.constant 0 : i32
          %dma_start3A_86 = tpu.memref_slice %arg6[%add3A_77, %dma_start3A] : memref<10240x64xf32, #tpu.memory_space<vmem_shared>> -> memref<32x64xf32, #tpu.memory_space<vmem_shared>>
          %dma_start3A_87 = arith.constant 0 : i32
          %dma_start3A_88 = tpu.memref_slice %arg6[%add3A_77, %dma_start3A_87] : memref<10240x64xf32, #tpu.memory_space<vmem_shared>> -> memref<32x64xf32, #tpu.memory_space<vmem_shared>>
          tpu.enqueue_dma source(%dma_start3A_88 : memref<32x64xf32, #tpu.memory_space<vmem_shared>>) target(%arg14 : memref<32x64xf32, #tpu.memory_space<vmem>>) target_semaphore(%run_scoped3A : memref<!tpu.dma_semaphore, #tpu.memory_space<semaphore_mem>>)
          %dma_wait3A = arith.constant 0 : i32
          %dma_wait3A_89 = tpu.memref_slice %arg6[%add3A_77, %dma_wait3A] : memref<10240x64xf32, #tpu.memory_space<vmem_shared>> -> memref<32x64xf32, #tpu.memory_space<vmem_shared>>
          %dma_wait3A_90 = arith.constant 0 : i32
          %dma_wait3A_91 = tpu.memref_slice %arg6[%add3A_77, %dma_wait3A_90] : memref<10240x64xf32, #tpu.memory_space<vmem_shared>> -> memref<32x64xf32, #tpu.memory_space<vmem_shared>>
          tpu.wait_dma2 semaphore(%run_scoped3A : memref<!tpu.dma_semaphore, #tpu.memory_space<semaphore_mem>>) src(%dma_wait3A_91 : memref<32x64xf32, #tpu.memory_space<vmem_shared>>) dst(%arg14 : memref<32x64xf32, #tpu.memory_space<vmem>>)
          tpu.yield
        }) : () -> ()
        "tpu.region"() ({
          %run_scoped3A = tpu.sem_alloc : memref<!tpu.dma_semaphore, #tpu.memory_space<semaphore_mem>>
          %dma_start3A = arith.constant 0 : i32
          %dma_start3A_86 = tpu.memref_slice %arg5[%arg0, %add3A_77, %dma_start3A] : memref<2x10240x64xf32, #tpu.memory_space<hbm>> -> memref<1x32x64xf32, #tpu.memory_space<hbm>>
          %dma_start3A_87 = tpu.memref_squeeze %dma_start3A_86 : memref<1x32x64xf32, #tpu.memory_space<hbm>> -> memref<32x64xf32, #tpu.memory_space<hbm>>
          %dma_start3A_88 = arith.constant 0 : i32
          %dma_start3A_89 = tpu.memref_slice %arg5[%arg0, %add3A_77, %dma_start3A_88] : memref<2x10240x64xf32, #tpu.memory_space<hbm>> -> memref<1x32x64xf32, #tpu.memory_space<hbm>>
          %dma_start3A_90 = tpu.memref_squeeze %dma_start3A_89 : memref<1x32x64xf32, #tpu.memory_space<hbm>> -> memref<32x64xf32, #tpu.memory_space<hbm>>
          tpu.enqueue_dma source(%dma_start3A_90 : memref<32x64xf32, #tpu.memory_space<hbm>>) target(%arg15 : memref<32x64xf32, #tpu.memory_space<vmem>>) target_semaphore(%run_scoped3A : memref<!tpu.dma_semaphore, #tpu.memory_space<semaphore_mem>>)
          %dma_wait3A = arith.constant 0 : i32
          %dma_wait3A_91 = tpu.memref_slice %arg5[%arg0, %add3A_77, %dma_wait3A] : memref<2x10240x64xf32, #tpu.memory_space<hbm>> -> memref<1x32x64xf32, #tpu.memory_space<hbm>>
          %dma_wait3A_92 = tpu.memref_squeeze %dma_wait3A_91 : memref<1x32x64xf32, #tpu.memory_space<hbm>> -> memref<32x64xf32, #tpu.memory_space<hbm>>
          %dma_wait3A_93 = arith.constant 0 : i32
          %dma_wait3A_94 = tpu.memref_slice %arg5[%arg0, %add3A_77, %dma_wait3A_93] : memref<2x10240x64xf32, #tpu.memory_space<hbm>> -> memref<1x32x64xf32, #tpu.memory_space<hbm>>
          %dma_wait3A_95 = tpu.memref_squeeze %dma_wait3A_94 : memref<1x32x64xf32, #tpu.memory_space<hbm>> -> memref<32x64xf32, #tpu.memory_space<hbm>>
          tpu.wait_dma2 semaphore(%run_scoped3A : memref<!tpu.dma_semaphore, #tpu.memory_space<semaphore_mem>>) src(%dma_wait3A_95 : memref<32x64xf32, #tpu.memory_space<hbm>>) dst(%arg15 : memref<32x64xf32, #tpu.memory_space<vmem>>)
          tpu.yield
        }) : () -> ()
        %scan3A_78 = arith.constant 0 : i32
        %scan3A_79 = arith.constant 0 : i32
        %scan3A_80 = arith.constant 32 : i32
        %scan3A_81 = arith.addi %scan3A_79, %scan3A_80 : i32
        %scan3A_82 = arith.constant 1 : i32
        %scan3A_83 = scf.for %scan3A_86 = %scan3A_79 to %scan3A_81 step %scan3A_82 iter_args(%scan3A_87 = %scan3A_78) -> (i32)  : i32 {
          %mul3A_88 = arith.constant 32 : i32
          %mul3A_89 = arith.muli %scan3A_73, %mul3A_88 : i32
          %add3A_90 = arith.addi %mul3A_89, %scan3A_86 : i32
          %get3A = arith.index_cast %add3A_90 : i32 to index
          %get3A_91 = arith.constant 0 : index
          %get3A_92 = tpu.vector_load %arg18[%get3A, %get3A_91] {strides = array<i32>} : memref<640x16xf32, #tpu.memory_space<vmem>>, vector<1x16xf32>,
          %get3A_93 = vector.shape_cast %get3A_92 : vector<1x16xf32> to vector<16xf32>
          %mul3A_94 = arith.mulf %get3A_93, %get3A_93 : vector<16xf32>
          %get3A_95 = arith.index_cast %scan3A_86 : i32 to index
          %get3A_96 = arith.constant 0 : index
          %get3A_97 = tpu.vector_load %arg13[%get3A_95, %get3A_96] {strides = array<i32>} : memref<32x64xf32, #tpu.memory_space<vmem>>, vector<1x16xf32>,
          %get3A_98 = vector.shape_cast %get3A_97 : vector<1x16xf32> to vector<16xf32>
          %get3A_99 = arith.index_cast %scan3A_86 : i32 to index
          %get3A_100 = arith.constant 0 : index
          %get3A_101 = tpu.vector_load %arg14[%get3A_99, %get3A_100] {strides = array<i32>} : memref<32x64xf32, #tpu.memory_space<vmem>>, vector<1x16xf32>,
          %get3A_102 = vector.shape_cast %get3A_101 : vector<1x16xf32> to vector<16xf32>
          %add3A_103 = arith.addf %get3A_98, %get3A_102 : vector<16xf32>
          %get3A_104 = arith.index_cast %scan3A_86 : i32 to index
          %get3A_105 = arith.constant 0 : index
          %get3A_106 = tpu.vector_load %arg15[%get3A_104, %get3A_105] {strides = array<i32>} : memref<32x64xf32, #tpu.memory_space<vmem>>, vector<1x16xf32>,
          %get3A_107 = vector.shape_cast %get3A_106 : vector<1x16xf32> to vector<16xf32>
          %mul3A_108 = arith.mulf %get3A_93, %add3A_103 : vector<16xf32>
          %add3A_109 = arith.addf %get3A_107, %mul3A_108 : vector<16xf32>
          %swap3A = arith.index_cast %scan3A_86 : i32 to index
          %swap3A_110 = arith.constant 0 : index
          %swap3A_111 = tpu.vector_load %arg15[%swap3A, %swap3A_110] {strides = array<i32>} : memref<32x64xf32, #tpu.memory_space<vmem>>, vector<1x16xf32>,
          %swap3A_112 = vector.shape_cast %swap3A_111 : vector<1x16xf32> to vector<16xf32>
          %swap3A_113 = vector.shape_cast %add3A_109 : vector<16xf32> to vector<1x16xf32>
          tpu.vector_store %arg15[%swap3A, %swap3A_110], %swap3A_113 {strides = array<i32>} : memref<32x64xf32, #tpu.memory_space<vmem>>, vector<1x16xf32>,
          %mul3A_114 = arith.mulf %mul3A_94, %add3A_103 : vector<16xf32>
          %swap3A_115 = arith.index_cast %scan3A_86 : i32 to index
          %swap3A_116 = arith.constant 0 : index
          %swap3A_117 = tpu.vector_load %arg14[%swap3A_115, %swap3A_116] {strides = array<i32>} : memref<32x64xf32, #tpu.memory_space<vmem>>, vector<1x16xf32>,
          %swap3A_118 = vector.shape_cast %swap3A_117 : vector<1x16xf32> to vector<16xf32>
          %swap3A_119 = vector.shape_cast %mul3A_114 : vector<16xf32> to vector<1x16xf32>
          tpu.vector_store %arg14[%swap3A_115, %swap3A_116], %swap3A_119 {strides = array<i32>} : memref<32x64xf32, #tpu.memory_space<vmem>>, vector<1x16xf32>,
          %swap3A_120 = arith.index_cast %scan3A_86 : i32 to index
          %swap3A_121 = arith.constant 0 : index
          %swap3A_122 = tpu.vector_load %arg13[%swap3A_120, %swap3A_121] {strides = array<i32>} : memref<32x64xf32, #tpu.memory_space<vmem>>, vector<1x16xf32>,
          %swap3A_123 = vector.shape_cast %swap3A_122 : vector<1x16xf32> to vector<16xf32>
          %swap3A_124 = vector.shape_cast %broadcast_in_dim3A_1 : vector<16xf32> to vector<1x16xf32>
          tpu.vector_store %arg13[%swap3A_120, %swap3A_121], %swap3A_124 {strides = array<i32>} : memref<32x64xf32, #tpu.memory_space<vmem>>, vector<1x16xf32>,
          %get3A_125 = arith.index_cast %scan3A_86 : i32 to index
          %get3A_126 = arith.constant 16 : index
          %get3A_127 = tpu.vector_load %arg13[%get3A_125, %get3A_126] {strides = array<i32>} : memref<32x64xf32, #tpu.memory_space<vmem>>, vector<1x16xf32>,
          %get3A_128 = vector.shape_cast %get3A_127 : vector<1x16xf32> to vector<16xf32>
          %get3A_129 = arith.index_cast %scan3A_86 : i32 to index
          %get3A_130 = arith.constant 16 : index
          %get3A_131 = tpu.vector_load %arg14[%get3A_129, %get3A_130] {strides = array<i32>} : memref<32x64xf32, #tpu.memory_space<vmem>>, vector<1x16xf32>,
          %get3A_132 = vector.shape_cast %get3A_131 : vector<1x16xf32> to vector<16xf32>
          %add3A_133 = arith.addf %get3A_128, %get3A_132 : vector<16xf32>
          %get3A_134 = arith.index_cast %scan3A_86 : i32 to index
          %get3A_135 = arith.constant 16 : index
          %get3A_136 = tpu.vector_load %arg15[%get3A_134, %get3A_135] {strides = array<i32>} : memref<32x64xf32, #tpu.memory_space<vmem>>, vector<1x16xf32>,
          %get3A_137 = vector.shape_cast %get3A_136 : vector<1x16xf32> to vector<16xf32>
          %mul3A_138 = arith.mulf %get3A_93, %add3A_133 : vector<16xf32>
          %add3A_139 = arith.addf %get3A_137, %mul3A_138 : vector<16xf32>
          %swap3A_140 = arith.index_cast %scan3A_86 : i32 to index
          %swap3A_141 = arith.constant 16 : index
          %swap3A_142 = tpu.vector_load %arg15[%swap3A_140, %swap3A_141] {strides = array<i32>} : memref<32x64xf32, #tpu.memory_space<vmem>>, vector<1x16xf32>,
          %swap3A_143 = vector.shape_cast %swap3A_142 : vector<1x16xf32> to vector<16xf32>
          %swap3A_144 = vector.shape_cast %add3A_139 : vector<16xf32> to vector<1x16xf32>
          tpu.vector_store %arg15[%swap3A_140, %swap3A_141], %swap3A_144 {strides = array<i32>} : memref<32x64xf32, #tpu.memory_space<vmem>>, vector<1x16xf32>,
          %mul3A_145 = arith.mulf %mul3A_94, %add3A_133 : vector<16xf32>
          %swap3A_146 = arith.index_cast %scan3A_86 : i32 to index
          %swap3A_147 = arith.constant 16 : index
          %swap3A_148 = tpu.vector_load %arg14[%swap3A_146, %swap3A_147] {strides = array<i32>} : memref<32x64xf32, #tpu.memory_space<vmem>>, vector<1x16xf32>,
          %swap3A_149 = vector.shape_cast %swap3A_148 : vector<1x16xf32> to vector<16xf32>
          %swap3A_150 = vector.shape_cast %mul3A_145 : vector<16xf32> to vector<1x16xf32>
          tpu.vector_store %arg14[%swap3A_146, %swap3A_147], %swap3A_150 {strides = array<i32>} : memref<32x64xf32, #tpu.memory_space<vmem>>, vector<1x16xf32>,
          %swap3A_151 = arith.index_cast %scan3A_86 : i32 to index
          %swap3A_152 = arith.constant 16 : index
          %swap3A_153 = tpu.vector_load %arg13[%swap3A_151, %swap3A_152] {strides = array<i32>} : memref<32x64xf32, #tpu.memory_space<vmem>>, vector<1x16xf32>,
          %swap3A_154 = vector.shape_cast %swap3A_153 : vector<1x16xf32> to vector<16xf32>
          %swap3A_155 = vector.shape_cast %broadcast_in_dim3A_1 : vector<16xf32> to vector<1x16xf32>
          tpu.vector_store %arg13[%swap3A_151, %swap3A_152], %swap3A_155 {strides = array<i32>} : memref<32x64xf32, #tpu.memory_space<vmem>>, vector<1x16xf32>,
          %get3A_156 = arith.index_cast %scan3A_86 : i32 to index
          %get3A_157 = arith.constant 32 : index
          %get3A_158 = tpu.vector_load %arg13[%get3A_156, %get3A_157] {strides = array<i32>} : memref<32x64xf32, #tpu.memory_space<vmem>>, vector<1x16xf32>,
          %get3A_159 = vector.shape_cast %get3A_158 : vector<1x16xf32> to vector<16xf32>
          %get3A_160 = arith.index_cast %scan3A_86 : i32 to index
          %get3A_161 = arith.constant 32 : index
          %get3A_162 = tpu.vector_load %arg14[%get3A_160, %get3A_161] {strides = array<i32>} : memref<32x64xf32, #tpu.memory_space<vmem>>, vector<1x16xf32>,
          %get3A_163 = vector.shape_cast %get3A_162 : vector<1x16xf32> to vector<16xf32>
          %add3A_164 = arith.addf %get3A_159, %get3A_163 : vector<16xf32>
          %get3A_165 = arith.index_cast %scan3A_86 : i32 to index
          %get3A_166 = arith.constant 32 : index
          %get3A_167 = tpu.vector_load %arg15[%get3A_165, %get3A_166] {strides = array<i32>} : memref<32x64xf32, #tpu.memory_space<vmem>>, vector<1x16xf32>,
          %get3A_168 = vector.shape_cast %get3A_167 : vector<1x16xf32> to vector<16xf32>
          %mul3A_169 = arith.mulf %get3A_93, %add3A_164 : vector<16xf32>
          %add3A_170 = arith.addf %get3A_168, %mul3A_169 : vector<16xf32>
          %swap3A_171 = arith.index_cast %scan3A_86 : i32 to index
          %swap3A_172 = arith.constant 32 : index
          %swap3A_173 = tpu.vector_load %arg15[%swap3A_171, %swap3A_172] {strides = array<i32>} : memref<32x64xf32, #tpu.memory_space<vmem>>, vector<1x16xf32>,
          %swap3A_174 = vector.shape_cast %swap3A_173 : vector<1x16xf32> to vector<16xf32>
          %swap3A_175 = vector.shape_cast %add3A_170 : vector<16xf32> to vector<1x16xf32>
          tpu.vector_store %arg15[%swap3A_171, %swap3A_172], %swap3A_175 {strides = array<i32>} : memref<32x64xf32, #tpu.memory_space<vmem>>, vector<1x16xf32>,
          %mul3A_176 = arith.mulf %mul3A_94, %add3A_164 : vector<16xf32>
          %swap3A_177 = arith.index_cast %scan3A_86 : i32 to index
          %swap3A_178 = arith.constant 32 : index
          %swap3A_179 = tpu.vector_load %arg14[%swap3A_177, %swap3A_178] {strides = array<i32>} : memref<32x64xf32, #tpu.memory_space<vmem>>, vector<1x16xf32>,
          %swap3A_180 = vector.shape_cast %swap3A_179 : vector<1x16xf32> to vector<16xf32>
          %swap3A_181 = vector.shape_cast %mul3A_176 : vector<16xf32> to vector<1x16xf32>
          tpu.vector_store %arg14[%swap3A_177, %swap3A_178], %swap3A_181 {strides = array<i32>} : memref<32x64xf32, #tpu.memory_space<vmem>>, vector<1x16xf32>,
          %swap3A_182 = arith.index_cast %scan3A_86 : i32 to index
          %swap3A_183 = arith.constant 32 : index
          %swap3A_184 = tpu.vector_load %arg13[%swap3A_182, %swap3A_183] {strides = array<i32>} : memref<32x64xf32, #tpu.memory_space<vmem>>, vector<1x16xf32>,
          %swap3A_185 = vector.shape_cast %swap3A_184 : vector<1x16xf32> to vector<16xf32>
          %swap3A_186 = vector.shape_cast %broadcast_in_dim3A_1 : vector<16xf32> to vector<1x16xf32>
          tpu.vector_store %arg13[%swap3A_182, %swap3A_183], %swap3A_186 {strides = array<i32>} : memref<32x64xf32, #tpu.memory_space<vmem>>, vector<1x16xf32>,
          %get3A_187 = arith.index_cast %scan3A_86 : i32 to index
          %get3A_188 = arith.constant 48 : index
          %get3A_189 = tpu.vector_load %arg13[%get3A_187, %get3A_188] {strides = array<i32>} : memref<32x64xf32, #tpu.memory_space<vmem>>, vector<1x16xf32>,
          %get3A_190 = vector.shape_cast %get3A_189 : vector<1x16xf32> to vector<16xf32>
          %get3A_191 = arith.index_cast %scan3A_86 : i32 to index
          %get3A_192 = arith.constant 48 : index
          %get3A_193 = tpu.vector_load %arg14[%get3A_191, %get3A_192] {strides = array<i32>} : memref<32x64xf32, #tpu.memory_space<vmem>>, vector<1x16xf32>,
          %get3A_194 = vector.shape_cast %get3A_193 : vector<1x16xf32> to vector<16xf32>
          %add3A_195 = arith.addf %get3A_190, %get3A_194 : vector<16xf32>
          %get3A_196 = arith.index_cast %scan3A_86 : i32 to index
          %get3A_197 = arith.constant 48 : index
          %get3A_198 = tpu.vector_load %arg15[%get3A_196, %get3A_197] {strides = array<i32>} : memref<32x64xf32, #tpu.memory_space<vmem>>, vector<1x16xf32>,
          %get3A_199 = vector.shape_cast %get3A_198 : vector<1x16xf32> to vector<16xf32>
          %mul3A_200 = arith.mulf %get3A_93, %add3A_195 : vector<16xf32>
          %add3A_201 = arith.addf %get3A_199, %mul3A_200 : vector<16xf32>
          %swap3A_202 = arith.index_cast %scan3A_86 : i32 to index
          %swap3A_203 = arith.constant 48 : index
          %swap3A_204 = tpu.vector_load %arg15[%swap3A_202, %swap3A_203] {strides = array<i32>} : memref<32x64xf32, #tpu.memory_space<vmem>>, vector<1x16xf32>,
          %swap3A_205 = vector.shape_cast %swap3A_204 : vector<1x16xf32> to vector<16xf32>
          %swap3A_206 = vector.shape_cast %add3A_201 : vector<16xf32> to vector<1x16xf32>
          tpu.vector_store %arg15[%swap3A_202, %swap3A_203], %swap3A_206 {strides = array<i32>} : memref<32x64xf32, #tpu.memory_space<vmem>>, vector<1x16xf32>,
          %mul3A_207 = arith.mulf %mul3A_94, %add3A_195 : vector<16xf32>
          %swap3A_208 = arith.index_cast %scan3A_86 : i32 to index
          %swap3A_209 = arith.constant 48 : index
          %swap3A_210 = tpu.vector_load %arg14[%swap3A_208, %swap3A_209] {strides = array<i32>} : memref<32x64xf32, #tpu.memory_space<vmem>>, vector<1x16xf32>,
          %swap3A_211 = vector.shape_cast %swap3A_210 : vector<1x16xf32> to vector<16xf32>
          %swap3A_212 = vector.shape_cast %mul3A_207 : vector<16xf32> to vector<1x16xf32>
          tpu.vector_store %arg14[%swap3A_208, %swap3A_209], %swap3A_212 {strides = array<i32>} : memref<32x64xf32, #tpu.memory_space<vmem>>, vector<1x16xf32>,
          %swap3A_213 = arith.index_cast %scan3A_86 : i32 to index
          %swap3A_214 = arith.constant 48 : index
          %swap3A_215 = tpu.vector_load %arg13[%swap3A_213, %swap3A_214] {strides = array<i32>} : memref<32x64xf32, #tpu.memory_space<vmem>>, vector<1x16xf32>,
          %swap3A_216 = vector.shape_cast %swap3A_215 : vector<1x16xf32> to vector<16xf32>
          %swap3A_217 = vector.shape_cast %broadcast_in_dim3A_1 : vector<16xf32> to vector<1x16xf32>
          tpu.vector_store %arg13[%swap3A_213, %swap3A_214], %swap3A_217 {strides = array<i32>} : memref<32x64xf32, #tpu.memory_space<vmem>>, vector<1x16xf32>,
          %scan3A_218 = arith.constant 0 : i32
          scf.yield %scan3A_218 : i32
        }
        %scan3A_84 = arith.constant 32 : i32
        "tpu.region"() ({
          %run_scoped3A = tpu.sem_alloc : memref<!tpu.dma_semaphore, #tpu.memory_space<semaphore_mem>>
          %dma_start3A = arith.constant 0 : i32
          %dma_start3A_86 = tpu.memref_slice %arg6[%add3A_77, %dma_start3A] : memref<10240x64xf32, #tpu.memory_space<vmem_shared>> -> memref<32x64xf32, #tpu.memory_space<vmem_shared>>
          %dma_start3A_87 = arith.constant 0 : i32
          %dma_start3A_88 = tpu.memref_slice %arg6[%add3A_77, %dma_start3A_87] : memref<10240x64xf32, #tpu.memory_space<vmem_shared>> -> memref<32x64xf32, #tpu.memory_space<vmem_shared>>
          tpu.enqueue_dma source(%arg14 : memref<32x64xf32, #tpu.memory_space<vmem>>) target(%dma_start3A_88 : memref<32x64xf32, #tpu.memory_space<vmem_shared>>) target_semaphore(%run_scoped3A : memref<!tpu.dma_semaphore, #tpu.memory_space<semaphore_mem>>)
          %dma_wait3A = arith.constant 0 : i32
          %dma_wait3A_89 = tpu.memref_slice %arg6[%add3A_77, %dma_wait3A] : memref<10240x64xf32, #tpu.memory_space<vmem_shared>> -> memref<32x64xf32, #tpu.memory_space<vmem_shared>>
          %dma_wait3A_90 = arith.constant 0 : i32
          %dma_wait3A_91 = tpu.memref_slice %arg6[%add3A_77, %dma_wait3A_90] : memref<10240x64xf32, #tpu.memory_space<vmem_shared>> -> memref<32x64xf32, #tpu.memory_space<vmem_shared>>
          tpu.wait_dma2 semaphore(%run_scoped3A : memref<!tpu.dma_semaphore, #tpu.memory_space<semaphore_mem>>) src(%arg14 : memref<32x64xf32, #tpu.memory_space<vmem>>) dst(%dma_wait3A_91 : memref<32x64xf32, #tpu.memory_space<vmem_shared>>)
          tpu.yield
        }) : () -> ()
        "tpu.region"() ({
          %run_scoped3A = tpu.sem_alloc : memref<!tpu.dma_semaphore, #tpu.memory_space<semaphore_mem>>
          %dma_start3A = arith.constant 0 : i32
          %dma_start3A_86 = tpu.memref_slice %arg5[%arg0, %add3A_77, %dma_start3A] : memref<2x10240x64xf32, #tpu.memory_space<hbm>> -> memref<1x32x64xf32, #tpu.memory_space<hbm>>
          %dma_start3A_87 = tpu.memref_squeeze %dma_start3A_86 : memref<1x32x64xf32, #tpu.memory_space<hbm>> -> memref<32x64xf32, #tpu.memory_space<hbm>>
          %dma_start3A_88 = arith.constant 0 : i32
          %dma_start3A_89 = tpu.memref_slice %arg5[%arg0, %add3A_77, %dma_start3A_88] : memref<2x10240x64xf32, #tpu.memory_space<hbm>> -> memref<1x32x64xf32, #tpu.memory_space<hbm>>
          %dma_start3A_90 = tpu.memref_squeeze %dma_start3A_89 : memref<1x32x64xf32, #tpu.memory_space<hbm>> -> memref<32x64xf32, #tpu.memory_space<hbm>>
          tpu.enqueue_dma source(%arg15 : memref<32x64xf32, #tpu.memory_space<vmem>>) target(%dma_start3A_90 : memref<32x64xf32, #tpu.memory_space<hbm>>) target_semaphore(%run_scoped3A : memref<!tpu.dma_semaphore, #tpu.memory_space<semaphore_mem>>)
          %dma_wait3A = arith.constant 0 : i32
          %dma_wait3A_91 = tpu.memref_slice %arg5[%arg0, %add3A_77, %dma_wait3A] : memref<2x10240x64xf32, #tpu.memory_space<hbm>> -> memref<1x32x64xf32, #tpu.memory_space<hbm>>
          %dma_wait3A_92 = tpu.memref_squeeze %dma_wait3A_91 : memref<1x32x64xf32, #tpu.memory_space<hbm>> -> memref<32x64xf32, #tpu.memory_space<hbm>>
          %dma_wait3A_93 = arith.constant 0 : i32
          %dma_wait3A_94 = tpu.memref_slice %arg5[%arg0, %add3A_77, %dma_wait3A_93] : memref<2x10240x64xf32, #tpu.memory_space<hbm>> -> memref<1x32x64xf32, #tpu.memory_space<hbm>>
          %dma_wait3A_95 = tpu.memref_squeeze %dma_wait3A_94 : memref<1x32x64xf32, #tpu.memory_space<hbm>> -> memref<32x64xf32, #tpu.memory_space<hbm>>
          tpu.wait_dma2 semaphore(%run_scoped3A : memref<!tpu.dma_semaphore, #tpu.memory_space<semaphore_mem>>) src(%arg15 : memref<32x64xf32, #tpu.memory_space<vmem>>) dst(%dma_wait3A_95 : memref<32x64xf32, #tpu.memory_space<hbm>>)
          tpu.yield
        }) : () -> ()
        "tpu.region"() ({
          %run_scoped3A = tpu.sem_alloc : memref<!tpu.dma_semaphore, #tpu.memory_space<semaphore_mem>>
          %dma_start3A = arith.constant 0 : i32
          %dma_start3A_86 = tpu.memref_slice %arg7[%add3A_77, %dma_start3A] : memref<10240x64xf32, #tpu.memory_space<vmem_shared>> -> memref<32x64xf32, #tpu.memory_space<vmem_shared>>
          %dma_start3A_87 = arith.constant 0 : i32
          %dma_start3A_88 = tpu.memref_slice %arg7[%add3A_77, %dma_start3A_87] : memref<10240x64xf32, #tpu.memory_space<vmem_shared>> -> memref<32x64xf32, #tpu.memory_space<vmem_shared>>
          tpu.enqueue_dma source(%arg13 : memref<32x64xf32, #tpu.memory_space<vmem>>) target(%dma_start3A_88 : memref<32x64xf32, #tpu.memory_space<vmem_shared>>) target_semaphore(%run_scoped3A : memref<!tpu.dma_semaphore, #tpu.memory_space<semaphore_mem>>)
          %dma_wait3A = arith.constant 0 : i32
          %dma_wait3A_89 = tpu.memref_slice %arg7[%add3A_77, %dma_wait3A] : memref<10240x64xf32, #tpu.memory_space<vmem_shared>> -> memref<32x64xf32, #tpu.memory_space<vmem_shared>>
          %dma_wait3A_90 = arith.constant 0 : i32
          %dma_wait3A_91 = tpu.memref_slice %arg7[%add3A_77, %dma_wait3A_90] : memref<10240x64xf32, #tpu.memory_space<vmem_shared>> -> memref<32x64xf32, #tpu.memory_space<vmem_shared>>
          tpu.wait_dma2 semaphore(%run_scoped3A : memref<!tpu.dma_semaphore, #tpu.memory_space<semaphore_mem>>) src(%arg13 : memref<32x64xf32, #tpu.memory_space<vmem>>) dst(%dma_wait3A_91 : memref<32x64xf32, #tpu.memory_space<vmem_shared>>)
          tpu.yield
        }) : () -> ()
        %scan3A_85 = arith.constant 0 : i32
        scf.yield %scan3A_85 : i32
      }
      %scan3A_70 = arith.constant 20 : i32
      %barrier3A_71 = arith.constant 0 : index
      tpu.barrier barrier_id(%barrier3A_71)
      %scan3A_72 = arith.constant 0 : i32
      scf.yield %scan3A_72 : i32
    }
    %scan3A_53 = arith.constant 8 : i32
    return
  }
}

module attributes {stable_mosaic.version = 14 : i64} {
  func.func @_mlp_body(%arg0: i32, %arg1: memref<2x2000x64xf32, #tpu.memory_space<vmem>>, %arg2: memref<64x64xf32, #tpu.memory_space<vmem>>, %arg3: memref<64x64xf32, #tpu.memory_space<vmem>>, %arg4: memref<1x64xf32, #tpu.memory_space<vmem>>, %arg5: memref<64x32xf32, #tpu.memory_space<vmem>>, %arg6: memref<1x32xf32, #tpu.memory_space<vmem>>, %arg7: memref<2000x32xf32, #tpu.memory_space<vmem>>) attributes {dimension_semantics = [#tpu.dimension_semantics<arbitrary>], iteration_bounds = array<i64: 5>, scalar_prefetch = 0 : i64, scratch_operands = 0 : i64, tpu.core_type = #tpu.core_type<tc>, window_params = [{transform_indices = @transform_0, window_bounds = array<i64: 2, 2000, 64>}, {pipeline_mode = #tpu.pipeline_mode<synchronous>, transform_indices = @transform_1, window_bounds = array<i64: 64, 64>}, {pipeline_mode = #tpu.pipeline_mode<synchronous>, transform_indices = @transform_2, window_bounds = array<i64: 64, 64>}, {pipeline_mode = #tpu.pipeline_mode<synchronous>, transform_indices = @transform_3, window_bounds = array<i64: 1, 64>}, {pipeline_mode = #tpu.pipeline_mode<synchronous>, transform_indices = @transform_4, window_bounds = array<i64: 64, 32>}, {pipeline_mode = #tpu.pipeline_mode<synchronous>, transform_indices = @transform_5, window_bounds = array<i64: 1, 32>}, {transform_indices = @transform_6, window_bounds = array<i64: 2000, 32>}]} {
    %get3A = arith.constant 0 : index
    %get3A_0 = arith.constant 0 : index
    %get3A_1 = arith.constant 0 : index
    %get3A_2 = vector.load %arg1[%get3A, %get3A_0, %get3A_1] : memref<2x2000x64xf32, #tpu.memory_space<vmem>>, vector<1x2000x64xf32>
    %get3A_3 = vector.shape_cast %get3A_2 : vector<1x2000x64xf32> to vector<2000x64xf32>
    %get3A_4 = arith.constant 0 : index
    %get3A_5 = arith.constant 0 : index
    %get3A_6 = vector.load %arg2[%get3A_4, %get3A_5] : memref<64x64xf32, #tpu.memory_space<vmem>>, vector<64x64xf32>
    %dot_general3A = arith.constant dense<0.000000e+00> : vector<2000x64xf32>
    %dot_general3A_7 = tpu.matmul %get3A_3, %get3A_6, %dot_general3A {dimension_numbers = #tpu.dot_dimension_numbers<[1], [0], [0], [1], [0, 0, 1, 1], [], []>, transpose_lhs_hint = false} : vector<2000x64xf32>, vector<64x64xf32>, vector<2000x64xf32> -> vector<2000x64xf32>
    %get3A_8 = arith.constant 1 : index
    %get3A_9 = arith.constant 0 : index
    %get3A_10 = arith.constant 0 : index
    %get3A_11 = vector.load %arg1[%get3A_8, %get3A_9, %get3A_10] : memref<2x2000x64xf32, #tpu.memory_space<vmem>>, vector<1x2000x64xf32>
    %get3A_12 = vector.shape_cast %get3A_11 : vector<1x2000x64xf32> to vector<2000x64xf32>
    %get3A_13 = arith.constant 0 : index
    %get3A_14 = arith.constant 0 : index
    %get3A_15 = vector.load %arg3[%get3A_13, %get3A_14] : memref<64x64xf32, #tpu.memory_space<vmem>>, vector<64x64xf32>
    %dot_general3A_16 = arith.constant dense<0.000000e+00> : vector<2000x64xf32>
    %dot_general3A_17 = tpu.matmul %get3A_12, %get3A_15, %dot_general3A_16 {dimension_numbers = #tpu.dot_dimension_numbers<[1], [0], [0], [1], [0, 0, 1, 1], [], []>, transpose_lhs_hint = false} : vector<2000x64xf32>, vector<64x64xf32>, vector<2000x64xf32> -> vector<2000x64xf32>
    %add3A = arith.addf %dot_general3A_7, %dot_general3A_17 : vector<2000x64xf32>
    %mul3A = arith.constant 0.111111112 : f32
    %mul3A_18 = vector.broadcast %mul3A : f32 to vector<2000x64xf32>
    %mul3A_19 = arith.mulf %add3A, %mul3A_18 : vector<2000x64xf32>
    %get3A_20 = arith.constant 0 : index
    %get3A_21 = arith.constant 0 : index
    %get3A_22 = vector.load %arg4[%get3A_20, %get3A_21] : memref<1x64xf32, #tpu.memory_space<vmem>>, vector<1x64xf32>
    %add3A_23 = vector.broadcast %get3A_22 : vector<1x64xf32> to vector<2000x64xf32>
    %add3A_24 = arith.addf %mul3A_19, %add3A_23 : vector<2000x64xf32>
    %max3A = arith.constant 0.000000e+00 : f32
    %max3A_25 = vector.broadcast %max3A : f32 to vector<2000x64xf32>
    %max3A_26 = arith.maximumf %add3A_24, %max3A_25 : vector<2000x64xf32>
    %get3A_27 = arith.constant 0 : index
    %get3A_28 = arith.constant 0 : index
    %get3A_29 = vector.load %arg5[%get3A_27, %get3A_28] : memref<64x32xf32, #tpu.memory_space<vmem>>, vector<64x32xf32>
    %dot_general3A_30 = arith.constant dense<0.000000e+00> : vector<2000x32xf32>
    %dot_general3A_31 = tpu.matmul %max3A_26, %get3A_29, %dot_general3A_30 {dimension_numbers = #tpu.dot_dimension_numbers<[1], [0], [0], [1], [0, 0, 1, 1], [], []>, transpose_lhs_hint = false} : vector<2000x64xf32>, vector<64x32xf32>, vector<2000x32xf32> -> vector<2000x32xf32>
    %get3A_32 = arith.constant 0 : index
    %get3A_33 = arith.constant 0 : index
    %get3A_34 = vector.load %arg6[%get3A_32, %get3A_33] : memref<1x32xf32, #tpu.memory_space<vmem>>, vector<1x32xf32>
    %add3A_35 = vector.broadcast %get3A_34 : vector<1x32xf32> to vector<2000x32xf32>
    %add3A_36 = arith.addf %dot_general3A_31, %add3A_35 : vector<2000x32xf32>
    %swap3A = arith.constant 0 : index
    %swap3A_37 = arith.constant 0 : index
    %swap3A_38 = vector.load %arg7[%swap3A, %swap3A_37] : memref<2000x32xf32, #tpu.memory_space<vmem>>, vector<2000x32xf32>
    tpu.vector_store %arg7[%swap3A, %swap3A_37], %add3A_36 {strides = array<i32>} : memref<2000x32xf32, #tpu.memory_space<vmem>>, vector<2000x32xf32>,
    return
  }
  func.func @transform_0(%arg0: i32) -> (i32, i32, i32) {
    %c0_i32 = arith.constant 0 : i32
    %c0_i32_0 = arith.constant 0 : i32
    %c0_i32_1 = arith.constant 0 : i32
    return %c0_i32, %arg0, %c0_i32_0 : i32, i32, i32
  }
  func.func @transform_1(%arg0: i32) -> (i32, i32) {
    %c0_i32 = arith.constant 0 : i32
    %c0_i32_0 = arith.constant 0 : i32
    %c0_i32_1 = arith.constant 0 : i32
    return %c0_i32, %c0_i32_0 : i32, i32
  }
  func.func @transform_2(%arg0: i32) -> (i32, i32) {
    %c0_i32 = arith.constant 0 : i32
    %c0_i32_0 = arith.constant 0 : i32
    %c0_i32_1 = arith.constant 0 : i32
    return %c0_i32, %c0_i32_0 : i32, i32
  }
  func.func @transform_3(%arg0: i32) -> (i32, i32) {
    %c0_i32 = arith.constant 0 : i32
    %c0_i32_0 = arith.constant 0 : i32
    %c0_i32_1 = arith.constant 0 : i32
    return %c0_i32, %c0_i32_0 : i32, i32
  }
  func.func @transform_4(%arg0: i32) -> (i32, i32) {
    %c0_i32 = arith.constant 0 : i32
    %c0_i32_0 = arith.constant 0 : i32
    %c0_i32_1 = arith.constant 0 : i32
    return %c0_i32, %c0_i32_0 : i32, i32
  }
  func.func @transform_5(%arg0: i32) -> (i32, i32) {
    %c0_i32 = arith.constant 0 : i32
    %c0_i32_0 = arith.constant 0 : i32
    %c0_i32_1 = arith.constant 0 : i32
    return %c0_i32, %c0_i32_0 : i32, i32
  }
  func.func @transform_6(%arg0: i32) -> (i32, i32) {
    %c0_i32 = arith.constant 0 : i32
    %c0_i32_0 = arith.constant 0 : i32
    return %arg0, %c0_i32 : i32, i32
  }
}

</mosaic_0001>

<sc_bundles>
// kernel: kernel.4.cloned.1.call-start
scs
__scs_entry_jumppad:
0x0: {  	(pc) =	sbr.rel $0x88, $3  }
0x1: {  	(tag) =	ssettag $0x0;
	lr =	simm.s32 $0x1  }
0x2: {  	[smem:$0x3F9B] =	sst lr;
	_ =	strace $0xD0000000  }
0x3: {  	_ = 	snop  }
0x4: {  	_ = 	snop  }
0x5: {  	_ = 	snop  }
0x6: {  	_ = 	snop  }
0x7: {  	_ = 	snop  }
__scs_overlays_trampoline_lowered:
0x8: {  	[smem:$0x3FAA] =	sst s0  }
0x9: {  	[smem:$0x3FAB] =	sst s1  }
0xa: {  	[smem:$0x3FAC] =	sst s2  }
0xb: {  	[smem:$0x3FAD] =	sst s3  }
0xc: {  	[smem:$0x3FAE] =	sst s4  }
0xd: {  	[smem:$0x3FAF] =	sst s5  }
0xe: {  	[smem:$0x3FB0] =	sst s6  }
0xf: {  	[smem:$0x3FB1] =	sst s7  }
0x10: {  	[smem:$0x3FB2] =	sst s8  }
0x11: {  	[smem:$0x3FB3] =	sst s9;
	s0 =	simm.s32 @!p0 $0x0  }
0x12: {  	s1 =	sld [smem:$0x3F99];
	s0 =	simm.s32 @p0 $0x1  }
0x13: {  	[smem:$0x3FB4] =	sst s0;
	s0 =	simm.s32 @!p1 $0x0  }
0x14: {  	s2 =	sld [smem:$0x3F98];
	s0 =	simm.s32 @p1 $0x1  }
0x15: {  	[smem:$0x3FB5] =	sst s0;
	s0 =	simm.s32 @!p2 $0x0  }
0x16: {  	s3 =	sld [smem:$0x3FDB];
	s0 =	simm.s32 @p2 $0x1  }
0x17: {  	s4 =	simm.s32 $0x1BF5;
	[smem:$0x3FB7] =	sst s0  }
0x18: {  	s0 =	sld [smem:$0x3F9A];
	_ =	swait.ge [sflag:s4], $0x0  }
0x19: {  	s7 =	sld [smem:$0x3F9B]  }
0x1a: {  	s8 =	sadd.s32 $0xFFFFE003, lr  }
0x1b: {  	s9 =	sadd.s32 $0xFFFFFEF7, lr;
	s5 =	simm.s32 $0xFFFFFFFF;
	p2 =	slt.u32 s8, $0xFFFFF086  }
0x1c: {  	p1 =	slt.u32 s9, $0xF7A;
	s5 =	simm.s32 @!p2 $0x0  }
0x1d: {  	s5 =	simm.s32 @p1 $0x1;
	p0 =	seq.s32 s7, s2  }
0x1e: {  	s7 =	smul.u32 @!p0 $0xF7A, s2;
	p2 =	seq.s32 @!p0 s5, $0x0  }
0x1f: {  	s9 =	smul.u32 $0xF7A, s1;
	s8 =	simm.s32 @!p0 $0x1BF5;
	p2 =	por !p2, p0  }
0x20: {  	[sflag:s8] =	ssyncset.s32 @!p0 $0xFFFFF086;
	s6 =	sadd.s32 @!p0 s3, s7;
	s7 =	simm.s32 @!p0 $0x108  }
0x21: {  	s3 =	sadd.s32 s3, s9;
	s6 =	sadd.s32 @!p0 $0x88, s6;
	s7 =	simm.s32 @p2 $0x1082  }
0x22: {  	[simem:s7], [sflag:s8] =	dma.local @!p0 [hbm:s6], $0xF7A  }
0x23: {  	s9 =	sor.u32 $0xD0000000, s2;
	s6 =	simm.s32 $0x108;
	_ =	swait.ge @!p0 [sflag:s8], $0x0  }
0x24: {  	s3 =	sadd.s32 $0x88, s3;
	s6 =	simm.s32 @!p1 $0x1082;
	[sflag:s4] =	ssyncset.s32 $0xFFFFF086  }
0x25: {  	[simem:s6], [sflag:s4] =	dma.local [hbm:s3], $0xF7A  }
0x26: {  	[smem:$0x3F9B] =	sst s1;
	(tag) =	ssettag s2;
	_ =	strace s9  }
0x27: {  	s1 =	sld [smem:$0x3FAB]  }
0x28: {  	s2 =	sld [smem:$0x3FAC]  }
0x29: {  	s4 =	sld [smem:$0x3FAE]  }
0x2a: {  	p0 =	seq.s32 s5, $0x0;
	s5 =	sld [smem:$0x3FAF]  }
0x2b: {  	s6 =	sld [smem:$0x3FB0]  }
0x2c: {  	s7 =	sld [smem:$0x3FB1]  }
0x2d: {  	s3 =	simm.s32 $0x108;
	s8 =	sld [smem:$0x3FB2]  }
0x2e: {  	s3 =	simm.s32 @!p0 $0x1082;
	s9 =	sld [smem:$0x3FB3]  }
0x2f: {  	lr =	sadd.s32 s0, s3;
	s0 =	sld [smem:$0x3FAA]  }
0x30: {  	s3 =	sld [smem:$0x3FAD]  }
0x31: {  	[smem:$0x3FB6] =	sst s10  }
0x32: {  	s10 =	sld [smem:$0x3FB4];
	_ =	sdelay $0x3  }
0x33: {  	p0 =	seq.s32 s10, $0x1;
	s10 =	sld [smem:$0x3FB6];
	_ =	sdelay $0x3  }
0x34: {  	[smem:$0x3FB6] =	sst s10  }
0x35: {  	s10 =	sld [smem:$0x3FB5];
	_ =	sdelay $0x3  }
0x36: {  	p1 =	seq.s32 s10, $0x1;
	s10 =	sld [smem:$0x3FB6];
	_ =	sdelay $0x3  }
0x37: {  	[smem:$0x3FB6] =	sst s10  }
0x38: {  	s10 =	sld [smem:$0x3FB7]  }
0x39: {  	_ = 	snop;
	(pc) =	sbr.ind lr, $3  }
0x3a: {  	_ = 	snop  }
0x3b: {  	_ = 	snop  }
0x3c: {  	p2 =	seq.s32 s10, $0x1;
	s10 =	sld [smem:$0x3FB6]  }
0x3d: {  	_ =	shalt  }
0x3e: {  	_ =	shalt  }
0x3f: {  	_ =	shalt  }
0x40: {  	_ =	shalt  }
0x41: {  	_ =	shalt  }
0x42: {  	_ =	shalt  }
0x43: {  	_ =	shalt  }
0x44: {  	_ =	shalt  }
0x45: {  	_ =	shalt  }
0x46: {  	_ =	shalt  }
0x47: {  	_ =	shalt  }
0x48: {  	_ =	shalt  }
0x49: {  	_ =	shalt  }
0x4a: {  	_ =	shalt  }
0x4b: {  	_ =	shalt  }
0x4c: {  	_ =	shalt  }
0x4d: {  	_ =	shalt  }
0x4e: {  	_ =	shalt  }
0x4f: {  	_ =	shalt  }
0x50: {  	_ =	shalt  }
0x51: {  	_ =	shalt  }
0x52: {  	_ =	shalt  }
0x53: {  	_ =	shalt  }
0x54: {  	_ =	shalt  }
0x55: {  	_ =	shalt  }
0x56: {  	_ =	shalt  }
0x57: {  	_ =	shalt  }
0x58: {  	_ =	shalt  }
0x59: {  	_ =	shalt  }
0x5a: {  	_ =	shalt  }
0x5b: {  	_ =	shalt  }
0x5c: {  	_ =	shalt  }
0x5d: {  	_ =	shalt  }
0x5e: {  	_ =	shalt  }
0x5f: {  	_ =	shalt  }
0x60: {  	_ =	shalt  }
0x61: {  	_ =	shalt  }
0x62: {  	_ =	shalt  }
0x63: {  	_ =	shalt  }
0x64: {  	_ =	shalt  }
0x65: {  	_ =	shalt  }
0x66: {  	_ =	shalt  }
0x67: {  	_ =	shalt  }
0x68: {  	_ =	shalt  }
0x69: {  	_ =	shalt  }
0x6a: {  	_ =	shalt  }
0x6b: {  	_ =	shalt  }
0x6c: {  	_ =	shalt  }
0x6d: {  	_ =	shalt  }
0x6e: {  	_ =	shalt  }
0x6f: {  	_ =	shalt  }
0x70: {  	_ =	shalt  }
0x71: {  	_ =	shalt  }
0x72: {  	_ =	shalt  }
0x73: {  	_ =	shalt  }
0x74: {  	_ =	shalt  }
0x75: {  	_ =	shalt  }
0x76: {  	_ =	shalt  }
0x77: {  	_ =	shalt  }
0x78: {  	_ =	shalt  }
0x79: {  	_ =	shalt  }
0x7a: {  	_ =	shalt  }
0x7b: {  	_ =	shalt  }
0x7c: {  	_ =	shalt  }
0x7d: {  	_ =	shalt  }
0x7e: {  	_ =	shalt  }
0x7f: {  	_ =	shalt  }
0x80: {  	_ =	shalt  }
0x81: {  	_ =	shalt  }
0x82: {  	_ =	shalt  }
0x83: {  	_ =	shalt  }
0x84: {  	_ =	shalt  }
0x85: {  	_ =	shalt  }
0x86: {  	_ =	shalt  }
0x87: {  	_ =	shalt  }
.Lfunc_end0:
.L_simem_size_0:
called_computation_lowered:
.L_overlay_start_0:
0x88: {  	s2 =	sld [smem:$0x3FD9]  }
0x89: {  	s3 =	sld [smem:$0x3FFE];
	_ =	sdelay $0x1  }
0x8a: {  	s1 =	srdreg.scid  }
0x8b: {  	s0 =	sand.u32 $0x1, s1  }
0x8c: {  	s16 =	sshll.u32 s0, $0xA;
	s2 =	sadd.s32 s3, s2  }
0x8d: {  	s2 =	sadd.s32 s2, s16  }
0x8e: {  	[smem:$0x3FC2] =	sst s2  }
0x8f: {  	_ = 	snop  }
0x90: {  	(tm) =	ssettm $0x1  }
0x91: {  	s17 =	sld [smem:$0x3FFB];
	_ =	sdelay $0x3  }
0x92: {  	_ =	strace s17  }
0x93: {  	s2 =	sld [smem:$0x3FFC];
	_ =	sdelay $0x3  }
0x94: {  	_ =	strace s2  }
0x95: {  	s2 =	sld [smem:$0x3FFD];
	_ =	sdelay $0x3  }
0x96: {  	_ =	strace s2  }
0x97: {  	_ =	strace $0x8FFFFFFF  }
0x98: {  	s18 =	sld [smem:$0x3FDB];
	_ =	sdelay $0x1  }
0x99: {  	s19 =	simm.s32 $_scs_section_size  }
0x9a: {  	s4 =	simm.s32 $_size__tile_overlayer_lowered;
	s5 =	simm.s32 $_tile_overlayer_lowered  }
0x9b: {  	s22 =	simm.s32 $0x1BFF;
	s21 =	sshll.u32 s5, $0x1;
	s2 =	sadd.s32 s19, s18  }
0x9c: {  	s6 =	simm.s32 $0x0;
	s20 =	sshll.u32 s4, $0x1;
	s4 =	sadd.s32 s21, s2  }
0x9d: {  	[timem:s6], [sflag:s22] =	dma.local [hbm:s4], s20  }
0x9e: {  	_ =	swait.ge [sflag:s22], s20  }
0x9f: {  	s3 =	ssub.s32 $0x0, s20;
	[sflag:s22] =	ssyncset.done $0x0  }
0xa0: {  	[sflag:s22] =	ssyncadd.s32 s3;
	_ =	sdelay $0x1  }
0xa1: {  	s23 =	simm.s32 $0x1B8B  }
0xa2: {  	_ =	swait.ge [sflag:s23], $0x1  }
0xa3: {  	[sflag:s23] =	ssyncset.done $0x0  }
0xa4: {  	s25 =	simm.s32 $0x1B8E;
	s24 =	sld [smem:$0x3FFE];
	[sflag:s23] =	ssyncadd.s32 $0xFFFFFFFF  }
0xa5: {  	s26 =	simm.s32 $execute0_lowered;
	[smem:$0x3FD2] =	sst s25  }
0xa6: {  	s4 =	sshll.u32 s26, $0x1;
	_ =	strace $0x80000046;
	[dreg:$0x1] =	wrdreg $0xFFFFFFFF  }
0xa7: {  	s28 =	simm.s32 $_size_execute0_lowered;
	s2 =	sadd.s32 s2, s4;
	[dreg:$0x0] =	wrdreg $0x0  }
0xa8: {  	s4 =	sshll.u32 s28, $0x1;
	[dreg:$0x2] =	wrdreg s2  }
0xa9: {  	[dreg:$0x3] =	wrdreg s4  }
0xaa: {  	[dreg:$0x4] =	wrdreg $0xC0  }
0xab: {  	_ =	task [dreg:s6], $0x5FFFF  }
0xac: {  	[dreg:$0x1] =	wrdreg $0xFFFFFFFF  }
0xad: {  	[dreg:$0x0] =	wrdreg $0x60  }
0xae: {  	[dreg:$0x2] =	wrdreg s24  }
0xaf: {  	[dreg:$0x3] =	wrdreg $0xA0000  }
0xb0: {  	[dreg:$0x4] =	wrdreg $0x140000  }
0xb1: {  	[dreg:$0x5] =	wrdreg $0x0  }
0xb2: {  	[dreg:$0x6] =	wrdreg $0x9  }
0xb3: {  	_ =	task.clear_ibuf [dreg:s6], $0x7FFFF;
	_ =	strace $0x90000046  }
0xb4: {  	s29 =	simm.s32 $0x9;
	_ =	strace $0x80000048  }
0xb5: {  	_ =	swait.ge [sflag:s29], $0x1  }
0xb6: {  	[sflag:s29] =	ssyncadd.s32 $0xFFFFFFFF  }
0xb7: {  	_ =	strace $0x90000048  }
0xb8: {  	_ =	sfence  }
0xb9: {  	s30 =	sld [smem:$0x0];
	_ =	sdelay $0x2  }
0xba: {  	s31 =	sshll.u32 s1, $0xD;
	s1 =	sshrl.u32 s1, $0x2  }
0xbb: {  	s3 =	sand.u32 $0x4000, s31;
	s1 =	sadd.s32 s1, s30  }
0xbc: {  	s0 =	sor.u32 s3, s0;
	s1 =	sshll.u32 s1, $0x11  }
0xbd: {  	s0 =	sor.u32 s1, s0  }
0xbe: {  	s0 =	sadd.s32 $0x8F2B, s0  }
0xbf: {  	[sflag:s0] =	ssyncadd.remote.s32 $0x1  }
0xc0: {  	_ =	sfence.sel $0xFFFF  }
0xc1: {  	[dreg:$0x0] =	wrdreg $0xFFFFFFFF;
	(pc) =	sbr.abs _section_cstart, $3  }
0xc2: {  	[dreg:$0x1] =	wrdreg $0xFFFFFFFF  }
0xc3: {  	_ =	task.clear_ibuf [dreg:s6], $0x2FFFF;
	_ =	strace $0x9FFFFFFF  }
0xc4: {  	(tm) =	ssettm $0x7FFFFFFF  }
0xc5: {  	_ =	shalt  }
tec
execute0_lowered:
.L_overlay_start_1:
0x0: {  	(tag) =	ssettag $0x1  }
0x1: {  	s1 =	rddreg [dreg:$0x0]  }
0x2: {  	s2 =	rddreg [dreg:$0x1]  }
0x3: {  	s17 =	rddreg [dreg:$0x2]  }
0x4: {  	s4 =	rddreg [dreg:$0x3];
	s5 =	simm.s32 $0x0  }
0x5: {  	s26 =	simm.s32 $0x1B840;
	[smem:$0x7FF] =	sst s5  }
0x6: {  	s7 =	simm.s32 $0x1B8C0;
	_ =	strace $0x80000047;
	[dreg:$0x6] =	wrdreg s26  }
0x7: {  	s8 =	simm.s32 $0x1B900;
	[dreg:$0x8] =	wrdreg s7  }
0x8: {  	s10 =	simm.s32 $0x1B940;
	[dreg:$0x9] =	wrdreg s8  }
0x9: {  	s11 =	simm.s32 $0x1B980;
	[dreg:$0xa] =	wrdreg s10  }
0xa: {  	s12 =	simm.s32 $0x1B9C0;
	[dreg:$0xb] =	wrdreg s11  }
0xb: {  	s13 =	simm.s32 $0x1BA00;
	[dreg:$0xc] =	wrdreg s12  }
0xc: {  	s14 =	simm.s32 $0x1BA40;
	[dreg:$0xd] =	wrdreg s13  }
0xd: {  	s15 =	simm.s32 $0x1BA80;
	[dreg:$0xe] =	wrdreg s14  }
0xe: {  	s16 =	simm.s32 $0x1BAC0;
	[dreg:$0xf] =	wrdreg s15  }
0xf: {  	s18 =	simm.s32 $0x1BB00;
	[dreg:$0x10] =	wrdreg s16  }
0x10: {  	s19 =	simm.s32 $0x1BB40;
	[dreg:$0x11] =	wrdreg s18  }
0x11: {  	s20 =	simm.s32 $0x1BB80;
	[dreg:$0x12] =	wrdreg s19  }
0x12: {  	s21 =	simm.s32 $0x1BBC0;
	[dreg:$0x13] =	wrdreg s20  }
0x13: {  	s23 =	simm.s32 $0x1BC00;
	[dreg:$0x14] =	wrdreg s21  }
0x14: {  	s9 =	stileid.u32;
	[dreg:$0x15] =	wrdreg s23;
	s26 =	simm.s32 $0x1BCC0  }
0x15: {  	s22 =	srdreg.scid;
	s8 =	simm.s32 $0x1BD00;
	[dreg:$0x18] =	wrdreg s26  }
0x16: {  	s29 =	simm.s32 $0x1B800;
	s11 =	simm.s32 $0x1BD40;
	[dreg:$0x19] =	wrdreg s8  }
0x17: {  	s28 =	simm.s32 $0x1B000;
	s12 =	simm.s32 $0x1BD80;
	[dreg:$0x1a] =	wrdreg s11  }
0x18: {  	s31 =	simm.s32 $0x16C00;
	s13 =	simm.s32 $0x1BDC0;
	[dreg:$0x1b] =	wrdreg s12  }
0x19: {  	s30 =	simm.s32 $0x16F80;
	s15 =	simm.s32 $0x1BE00;
	[dreg:$0x1c] =	wrdreg s13  }
0x1a: {  	s0 =	smul.u32 $0xA000, s9;
	s16 =	simm.s32 $0x1BE40;
	[dreg:$0x1d] =	wrdreg s15  }
0x1b: {  	s3 =	smul.u32 $0xA00, s9;
	s18 =	simm.s32 $0x1BE80;
	[dreg:$0x1e] =	wrdreg s16  }
0x1c: {  	s14 =	smul.u32 $0x280, s9;
	s20 =	simm.s32 $0x1BEC0;
	[dreg:$0x1f] =	wrdreg s18  }
0x1d: {  	s19 =	smul.u32 $0x28000, s9;
	s21 =	simm.s32 $0x1BF00;
	[smem:$0x7F7] =	sst s20  }
0x1e: {  	s23 =	simm.s32 $0x1BF40;
	s6 =	sshrl.u32 s0, $0x2;
	[smem:$0x7F8] =	sst s21  }
0x1f: {  	s0 =	sadd.s32 s3, s1;
	[smem:$0x7FA] =	sst s23;
	s15 =	simm.s32 $0x16800  }
0x20: {  	s16 =	simm.s32 $0x80;
	s18 =	simm.s32 $0x16880;
	s20 =	simm.s32 $0x16980  }
0x21: {  	s21 =	simm.s32 $0x16A00;
	s26 =	simm.s32 $0x16C80;
	s23 =	simm.s32 $0x16B00  }
0x22: {  	s11 =	simm.s32 $0x2;
	s24 =	sadd.s32 s6, s17;
	[smem:$0x7F3] =	sst s14  }
0x23: {  	s25 =	sadd.s32 $0x800, s0;
	s6 =	simm.s32 $0x1B880;
	[smem:$0x7FD] =	sst s26  }
0x24: {  	s12 =	sadd.s32 $0xA800, s0;
	s14 =	simm.s32 $0x5;
	[dreg:$0x5] =	wrdreg s24  }
0x25: {  	s0 =	simm.s32 $0x19000;
	s26 =	simm.s32 $0x4;
	[smem:$0x7F1] =	sst s25  }
0x26: {  	[dreg:$0x7] =	wrdreg s6;
	s6 =	sand.u32 $0x1, s22;
	s24 =	simm.s32 $0x1BC40  }
0x27: {  	s25 =	simm.s32 $0x1BC80;
	s22 =	sshrl.u32 s19, $0x2;
	[dreg:$0x16] =	wrdreg s24  }
0x28: {  	s19 =	simm.s32 $0x16900;
	s7 =	sshll.u32 s6, $0x3;
	[dreg:$0x17] =	wrdreg s25  }
0x29: {  	s10 =	ssub.s32 $0x2, s6;
	s6 =	smul.u32 $0xA0000, s6;
	s24 =	simm.s32 $0x1BF80  }
0x2a: {  	s25 =	simm.s32 $0x1BFC0;
	s7 =	sadd.s32 s7, s1;
	[smem:$0x7FB] =	sst s24  }
0x2b: {  	s1 =	sadd.s32 $0x3C800, s1;
	s8 =	sshrl.u32 s10, $0x1;
	[smem:$0x7FC] =	sst s25  }
0x2c: {  	s24 =	simm.s32 $0x16B80;
	s25 =	simm.s32 $0x3;
	[smem:$0x7F2] =	sst s1  }
0x2d: {  	s3 =	ssub.s32 s10, s8;
	s7 =	sadd.s32 $0x14800, s7;
	[smem:$0x7F5] =	sst s6  }
0x2e: {  	s1 =	simm.s32 $0x17000;
	[smem:$0x7F4] =	sst s7;
	s3 =	smax.u32 s3, $0x1  }
0x2f: {  	s10 =	simm.s32 $0x1;
	[smem:$0x7F6] =	sst s3;
	s3 =	sadd.s32 s22, s2  }
0x30: {  	v0 =	vimm.f32 $0.0e+00;
	v1 =	vimm.f32 $1.000000000e+00;
	s6 =	simm.s32 $0x0;
	s22 =	simm.s32 $0x16A80;
	[smem:$0x7F9] =	sst s3  }
.LBB2_1:
0x31: {  	[smem:$0x7F0] =	sst s6;
	s6 =	simm.s32 $0x100;
	s3 =	simm.s32 $0x0  }
.LBB2_2:
0x32: {  	p0 =	sne.s32 s6, $0x1F00;
	[tilespmem:s3+$0x1B830] =	vst v0;
	s7 =	smov.u32 s6;
	s6 =	sadd.s32 $0x100, s6  }
.Ltmp0:
0x33: {  	[tilespmem:s3+$0x1B820] =	vst v0;
	(pc) =	sbr.rel @p0 .LBB2_2-.Ltmp0, $3  }
0x34: {  	[tilespmem:s3+$0x1B800] =	vst v0  }
0x35: {  	[tilespmem:s3+$0x1B810] =	vst v0;
	_ =	sdelay $0x1  }
0x36: {  	s3 =	sshra.s32 s7, $0x2  }
0x37: {  	[tilespmem:s3+$0x1B830] =	vst v0  }
0x38: {  	[tilespmem:s3+$0x1B820] =	vst v0  }
0x39: {  	[tilespmem:s3+$0x1B800] =	vst v0  }
0x3a: {  	[tilespmem:s3+$0x1B810] =	vst v0;
	s3 =	simm.s32 $0x40;
	s6 =	simm.s32 $0x0  }
.LBB2_4:
0x3b: {  	p0 =	sne.s32 s3, $0x1FC0;
	[tilespmem:s6+$0x1C800] =	vst v1;
	s6 =	smov.u32 s3;
	s3 =	sadd.s32 $0x40, s3  }
.Ltmp1:
0x3c: {  	(pc) =	sbr.rel @p0 .LBB2_4-.Ltmp1, $2  }
0x3d: {  	_ =	sdelay $0x2  }
0x3e: {  	s6 =	sshra.s32 s6, $0x2  }
0x3f: {  	s13 =	sld [smem:$0x7F9];
	_ =	sdelay $0x1  }
0x40: {  	[tilespmem:s6+$0x1C800] =	vst v1  }
0x41: {  	[spmem:s13] =	stream.linear.scatter [tilespmem:s29], [sflag:$0x5], $0x800, $0x38;
	[tilespmem:$0x1FA00] =	vst v63  }
0x42: {  	_ =	swait.ge [sflag:s14], $0x800  }
0x43: {  	s3 =	rddreg [dreg:$0x5];
	[sflag:s14] =	ssyncset.done $0x0  }
0x44: {  	s9 =	rddreg [dreg:$0x6];
	[sflag:s14] =	ssyncadd.s32 $0xFFFFF800;
	s3 =	sadd.s32 $0x0, s3  }
0x45: {  	[spmem:s3] =	stream.linear.scatter [tilespmem:s29], [sflag:$0x5], $0x10, $0x38;
	[tilespmem:$0x1FA00] =	vst v63  }
0x46: {  	s8 =	rddreg [dreg:$0x7];
	s7 =	sadd.s32 $0x10, s3  }
0x47: {  	[spmem:s7] =	stream.linear.scatter [tilespmem:s9], [sflag:$0x5], $0x10, $0x38;
	[tilespmem:$0x1FA00] =	vst v63  }
0x48: {  	s9 =	sadd.s32 $0x20, s3;
	s7 =	rddreg [dreg:$0x8]  }
0x49: {  	[spmem:s9] =	stream.linear.scatter [tilespmem:s8], [sflag:$0x5], $0x10, $0x38;
	[tilespmem:$0x1FA00] =	vst v63  }
0x4a: {  	s9 =	sadd.s32 $0x30, s3;
	s8 =	rddreg [dreg:$0x9]  }
0x4b: {  	[spmem:s9] =	stream.linear.scatter [tilespmem:s7], [sflag:$0x5], $0x10, $0x38;
	[tilespmem:$0x1FA00] =	vst v63  }
0x4c: {  	s9 =	sadd.s32 $0x40, s3;
	s7 =	rddreg [dreg:$0xa]  }
0x4d: {  	[spmem:s9] =	stream.linear.scatter [tilespmem:s8], [sflag:$0x5], $0x10, $0x38;
	[tilespmem:$0x1FA00] =	vst v63  }
0x4e: {  	s9 =	sadd.s32 $0x50, s3;
	s8 =	rddreg [dreg:$0xb]  }
0x4f: {  	[spmem:s9] =	stream.linear.scatter [tilespmem:s7], [sflag:$0x5], $0x10, $0x38;
	[tilespmem:$0x1FA00] =	vst v63  }
0x50: {  	s9 =	sadd.s32 $0x60, s3;
	s7 =	rddreg [dreg:$0xc]  }
0x51: {  	[spmem:s9] =	stream.linear.scatter [tilespmem:s8], [sflag:$0x5], $0x10, $0x38;
	[tilespmem:$0x1FA00] =	vst v63  }
0x52: {  	s9 =	sadd.s32 $0x70, s3;
	s8 =	rddreg [dreg:$0xd]  }
0x53: {  	[spmem:s9] =	stream.linear.scatter [tilespmem:s7], [sflag:$0x5], $0x10, $0x38;
	[tilespmem:$0x1FA00] =	vst v63  }
0x54: {  	s9 =	sadd.s32 $0x80, s3;
	s7 =	rddreg [dreg:$0xe]  }
0x55: {  	[spmem:s9] =	stream.linear.scatter [tilespmem:s8], [sflag:$0x5], $0x10, $0x38;
	[tilespmem:$0x1FA00] =	vst v63  }
0x56: {  	s9 =	sadd.s32 $0x90, s3;
	s8 =	rddreg [dreg:$0xf]  }
0x57: {  	[spmem:s9] =	stream.linear.scatter [tilespmem:s7], [sflag:$0x5], $0x10, $0x38;
	[tilespmem:$0x1FA00] =	vst v63  }
0x58: {  	s9 =	sadd.s32 $0xA0, s3;
	s7 =	rddreg [dreg:$0x10]  }
0x59: {  	[spmem:s9] =	stream.linear.scatter [tilespmem:s8], [sflag:$0x5], $0x10, $0x38;
	[tilespmem:$0x1FA00] =	vst v63  }
0x5a: {  	s9 =	sadd.s32 $0xB0, s3;
	s8 =	rddreg [dreg:$0x11]  }
0x5b: {  	[spmem:s9] =	stream.linear.scatter [tilespmem:s7], [sflag:$0x5], $0x10, $0x38;
	[tilespmem:$0x1FA00] =	vst v63  }
0x5c: {  	s9 =	sadd.s32 $0xC0, s3;
	s7 =	rddreg [dreg:$0x12]  }
0x5d: {  	[spmem:s9] =	stream.linear.scatter [tilespmem:s8], [sflag:$0x5], $0x10, $0x38;
	[tilespmem:$0x1FA00] =	vst v63  }
0x5e: {  	s9 =	sadd.s32 $0xD0, s3;
	s8 =	rddreg [dreg:$0x13]  }
0x5f: {  	[spmem:s9] =	stream.linear.scatter [tilespmem:s7], [sflag:$0x5], $0x10, $0x38;
	[tilespmem:$0x1FA00] =	vst v63  }
0x60: {  	s9 =	sadd.s32 $0xE0, s3;
	s7 =	rddreg [dreg:$0x14]  }
0x61: {  	[spmem:s9] =	stream.linear.scatter [tilespmem:s8], [sflag:$0x5], $0x10, $0x38;
	[tilespmem:$0x1FA00] =	vst v63  }
0x62: {  	s9 =	sadd.s32 $0xF0, s3;
	s8 =	rddreg [dreg:$0x15]  }
0x63: {  	[spmem:s9] =	stream.linear.scatter [tilespmem:s7], [sflag:$0x5], $0x10, $0x38;
	[tilespmem:$0x1FA00] =	vst v63  }
0x64: {  	s9 =	sadd.s32 $0x100, s3;
	s7 =	rddreg [dreg:$0x16]  }
0x65: {  	[spmem:s9] =	stream.linear.scatter [tilespmem:s8], [sflag:$0x5], $0x10, $0x38;
	[tilespmem:$0x1FA00] =	vst v63  }
0x66: {  	s9 =	sadd.s32 $0x110, s3;
	s8 =	rddreg [dreg:$0x17]  }
0x67: {  	[spmem:s9] =	stream.linear.scatter [tilespmem:s7], [sflag:$0x5], $0x10, $0x38;
	[tilespmem:$0x1FA00] =	vst v63  }
0x68: {  	s9 =	sadd.s32 $0x120, s3;
	s7 =	rddreg [dreg:$0x18]  }
0x69: {  	[spmem:s9] =	stream.linear.scatter [tilespmem:s8], [sflag:$0x5], $0x10, $0x38;
	[tilespmem:$0x1FA00] =	vst v63  }
0x6a: {  	s9 =	sadd.s32 $0x130, s3;
	s8 =	rddreg [dreg:$0x19]  }
0x6b: {  	[spmem:s9] =	stream.linear.scatter [tilespmem:s7], [sflag:$0x5], $0x10, $0x38;
	[tilespmem:$0x1FA00] =	vst v63  }
0x6c: {  	s9 =	sadd.s32 $0x140, s3;
	s7 =	rddreg [dreg:$0x1a]  }
0x6d: {  	[spmem:s9] =	stream.linear.scatter [tilespmem:s8], [sflag:$0x5], $0x10, $0x38;
	[tilespmem:$0x1FA00] =	vst v63  }
0x6e: {  	s9 =	sadd.s32 $0x150, s3;
	s8 =	rddreg [dreg:$0x1b]  }
0x6f: {  	[spmem:s9] =	stream.linear.scatter [tilespmem:s7], [sflag:$0x5], $0x10, $0x38;
	[tilespmem:$0x1FA00] =	vst v63  }
0x70: {  	s9 =	sadd.s32 $0x160, s3;
	s7 =	rddreg [dreg:$0x1c]  }
0x71: {  	[spmem:s9] =	stream.linear.scatter [tilespmem:s8], [sflag:$0x5], $0x10, $0x38;
	[tilespmem:$0x1FA00] =	vst v63  }
0x72: {  	s9 =	sadd.s32 $0x170, s3;
	s8 =	rddreg [dreg:$0x1d]  }
0x73: {  	[spmem:s9] =	stream.linear.scatter [tilespmem:s7], [sflag:$0x5], $0x10, $0x38;
	[tilespmem:$0x1FA00] =	vst v63  }
0x74: {  	s9 =	sadd.s32 $0x180, s3;
	s7 =	rddreg [dreg:$0x1e]  }
0x75: {  	[spmem:s9] =	stream.linear.scatter [tilespmem:s8], [sflag:$0x5], $0x10, $0x38;
	[tilespmem:$0x1FA00] =	vst v63  }
0x76: {  	s9 =	sadd.s32 $0x190, s3;
	s8 =	rddreg [dreg:$0x1f]  }
0x77: {  	[spmem:s9] =	stream.linear.scatter [tilespmem:s7], [sflag:$0x5], $0x10, $0x38;
	[tilespmem:$0x1FA00] =	vst v63  }
0x78: {  	s9 =	sadd.s32 $0x1A0, s3;
	s7 =	sld [smem:$0x7F7]  }
0x79: {  	[spmem:s9] =	stream.linear.scatter [tilespmem:s8], [sflag:$0x5], $0x10, $0x38;
	[tilespmem:$0x1FA00] =	vst v63  }
0x7a: {  	s9 =	sadd.s32 $0x1B0, s3;
	s8 =	sld [smem:$0x7F8]  }
0x7b: {  	[spmem:s9] =	stream.linear.scatter [tilespmem:s7], [sflag:$0x5], $0x10, $0x38;
	[tilespmem:$0x1FA00] =	vst v63  }
0x7c: {  	s9 =	sadd.s32 $0x1C0, s3;
	s7 =	sld [smem:$0x7FA]  }
0x7d: {  	[spmem:s9] =	stream.linear.scatter [tilespmem:s8], [sflag:$0x5], $0x10, $0x38;
	[tilespmem:$0x1FA00] =	vst v63  }
0x7e: {  	s9 =	sadd.s32 $0x1D0, s3;
	s8 =	sld [smem:$0x7FB]  }
0x7f: {  	[spmem:s9] =	stream.linear.scatter [tilespmem:s7], [sflag:$0x5], $0x10, $0x38;
	[tilespmem:$0x1FA00] =	vst v63  }
0x80: {  	s7 =	sadd.s32 $0x1E0, s3;
	s9 =	sld [smem:$0x7FC]  }
0x81: {  	[spmem:s7] =	stream.linear.scatter [tilespmem:s8], [sflag:$0x5], $0x10, $0x38;
	[tilespmem:$0x1FA00] =	vst v63  }
0x82: {  	s3 =	sadd.s32 $0x1F0, s3  }
0x83: {  	[spmem:s3] =	stream.linear.scatter [tilespmem:s9], [sflag:$0x5], $0x10, $0x38;
	[tilespmem:$0x1FA00] =	vst v63  }
0x84: {  	_ =	swait.ge [sflag:s14], $0x200  }
0x85: {  	s7 =	simm.s32 $0x800;
	[sflag:s14] =	ssyncset.done $0x0  }
.LBB2_6:
0x86: {  	[sflag:s14] =	ssyncadd.s32 $0xFFFFFE00;
	s13 =	sadd.s32 $0x800, s13  }
0x87: {  	[spmem:s13] =	stream.linear.scatter [tilespmem:s29], [sflag:$0x5], $0x800, $0x38;
	[tilespmem:$0x1FA00] =	vst v63  }
0x88: {  	s3 =	smov.u32 s7;
	_ =	swait.ge [sflag:s14], $0x800  }
0x89: {  	s3 =	sshra.s32 s3, $0x2;
	s6 =	rddreg [dreg:$0x5];
	[sflag:s14] =	ssyncset.done $0x0  }
0x8a: {  	s9 =	rddreg [dreg:$0x7];
	[sflag:s14] =	ssyncadd.s32 $0xFFFFF800;
	s3 =	sadd.s32 s3, s6  }
0x8b: {  	[spmem:s3] =	stream.linear.scatter [tilespmem:s29], [sflag:$0x5], $0x10, $0x38;
	[tilespmem:$0x1FA00] =	vst v63  }
0x8c: {  	s6 =	rddreg [dreg:$0x6];
	s8 =	sadd.s32 $0x10, s3  }
0x8d: {  	[spmem:s8] =	stream.linear.scatter [tilespmem:s6], [sflag:$0x5], $0x10, $0x38;
	[tilespmem:$0x1FA00] =	vst v63  }
0x8e: {  	s6 =	sadd.s32 $0x20, s3;
	s8 =	rddreg [dreg:$0x8]  }
0x8f: {  	[spmem:s6] =	stream.linear.scatter [tilespmem:s9], [sflag:$0x5], $0x10, $0x38;
	[tilespmem:$0x1FA00] =	vst v63  }
0x90: {  	s6 =	sadd.s32 $0x30, s3;
	s9 =	rddreg [dreg:$0x9]  }
0x91: {  	[spmem:s6] =	stream.linear.scatter [tilespmem:s8], [sflag:$0x5], $0x10, $0x38;
	[tilespmem:$0x1FA00] =	vst v63  }
0x92: {  	s6 =	sadd.s32 $0x40, s3;
	s8 =	rddreg [dreg:$0xa]  }
0x93: {  	[spmem:s6] =	stream.linear.scatter [tilespmem:s9], [sflag:$0x5], $0x10, $0x38;
	[tilespmem:$0x1FA00] =	vst v63  }
0x94: {  	s6 =	sadd.s32 $0x50, s3;
	s9 =	rddreg [dreg:$0xb]  }
0x95: {  	[spmem:s6] =	stream.linear.scatter [tilespmem:s8], [sflag:$0x5], $0x10, $0x38;
	[tilespmem:$0x1FA00] =	vst v63  }
0x96: {  	s6 =	sadd.s32 $0x60, s3;
	s8 =	rddreg [dreg:$0xc]  }
0x97: {  	[spmem:s6] =	stream.linear.scatter [tilespmem:s9], [sflag:$0x5], $0x10, $0x38;
	[tilespmem:$0x1FA00] =	vst v63  }
0x98: {  	s6 =	sadd.s32 $0x70, s3;
	s9 =	rddreg [dreg:$0xd]  }
0x99: {  	[spmem:s6] =	stream.linear.scatter [tilespmem:s8], [sflag:$0x5], $0x10, $0x38;
	[tilespmem:$0x1FA00] =	vst v63  }
0x9a: {  	s6 =	sadd.s32 $0x80, s3;
	s8 =	rddreg [dreg:$0xe]  }
0x9b: {  	[spmem:s6] =	stream.linear.scatter [tilespmem:s9], [sflag:$0x5], $0x10, $0x38;
	[tilespmem:$0x1FA00] =	vst v63  }
0x9c: {  	s6 =	sadd.s32 $0x90, s3;
	s9 =	rddreg [dreg:$0xf]  }
0x9d: {  	[spmem:s6] =	stream.linear.scatter [tilespmem:s8], [sflag:$0x5], $0x10, $0x38;
	[tilespmem:$0x1FA00] =	vst v63  }
0x9e: {  	s6 =	sadd.s32 $0xA0, s3;
	s8 =	rddreg [dreg:$0x10]  }
0x9f: {  	[spmem:s6] =	stream.linear.scatter [tilespmem:s9], [sflag:$0x5], $0x10, $0x38;
	[tilespmem:$0x1FA00] =	vst v63  }
0xa0: {  	s6 =	sadd.s32 $0xB0, s3;
	s9 =	rddreg [dreg:$0x11]  }
0xa1: {  	[spmem:s6] =	stream.linear.scatter [tilespmem:s8], [sflag:$0x5], $0x10, $0x38;
	[tilespmem:$0x1FA00] =	vst v63  }
0xa2: {  	s6 =	sadd.s32 $0xC0, s3;
	s8 =	rddreg [dreg:$0x12]  }
0xa3: {  	[spmem:s6] =	stream.linear.scatter [tilespmem:s9], [sflag:$0x5], $0x10, $0x38;
	[tilespmem:$0x1FA00] =	vst v63  }
0xa4: {  	s6 =	sadd.s32 $0xD0, s3;
	s9 =	rddreg [dreg:$0x13]  }
0xa5: {  	[spmem:s6] =	stream.linear.scatter [tilespmem:s8], [sflag:$0x5], $0x10, $0x38;
	[tilespmem:$0x1FA00] =	vst v63  }
0xa6: {  	s6 =	sadd.s32 $0xE0, s3;
	s8 =	rddreg [dreg:$0x14]  }
0xa7: {  	[spmem:s6] =	stream.linear.scatter [tilespmem:s9], [sflag:$0x5], $0x10, $0x38;
	[tilespmem:$0x1FA00] =	vst v63  }
0xa8: {  	s6 =	sadd.s32 $0xF0, s3;
	s9 =	rddreg [dreg:$0x15]  }
0xa9: {  	[spmem:s6] =	stream.linear.scatter [tilespmem:s8], [sflag:$0x5], $0x10, $0x38;
	[tilespmem:$0x1FA00] =	vst v63  }
0xaa: {  	s6 =	sadd.s32 $0x100, s3;
	s8 =	rddreg [dreg:$0x16]  }
0xab: {  	[spmem:s6] =	stream.linear.scatter [tilespmem:s9], [sflag:$0x5], $0x10, $0x38;
	[tilespmem:$0x1FA00] =	vst v63  }
0xac: {  	s6 =	sadd.s32 $0x110, s3;
	s9 =	rddreg [dreg:$0x17]  }
0xad: {  	[spmem:s6] =	stream.linear.scatter [tilespmem:s8], [sflag:$0x5], $0x10, $0x38;
	[tilespmem:$0x1FA00] =	vst v63  }
0xae: {  	s6 =	sadd.s32 $0x120, s3;
	s8 =	rddreg [dreg:$0x18]  }
0xaf: {  	[spmem:s6] =	stream.linear.scatter [tilespmem:s9], [sflag:$0x5], $0x10, $0x38;
	[tilespmem:$0x1FA00] =	vst v63  }
0xb0: {  	s6 =	sadd.s32 $0x130, s3;
	s9 =	rddreg [dreg:$0x19]  }
0xb1: {  	[spmem:s6] =	stream.linear.scatter [tilespmem:s8], [sflag:$0x5], $0x10, $0x38;
	[tilespmem:$0x1FA00] =	vst v63  }
0xb2: {  	s6 =	sadd.s32 $0x140, s3;
	s8 =	rddreg [dreg:$0x1a]  }
0xb3: {  	[spmem:s6] =	stream.linear.scatter [tilespmem:s9], [sflag:$0x5], $0x10, $0x38;
	[tilespmem:$0x1FA00] =	vst v63  }
0xb4: {  	s6 =	sadd.s32 $0x150, s3;
	s9 =	rddreg [dreg:$0x1b]  }
0xb5: {  	[spmem:s6] =	stream.linear.scatter [tilespmem:s8], [sflag:$0x5], $0x10, $0x38;
	[tilespmem:$0x1FA00] =	vst v63  }
0xb6: {  	s6 =	sadd.s32 $0x160, s3;
	s8 =	rddreg [dreg:$0x1c]  }
0xb7: {  	[spmem:s6] =	stream.linear.scatter [tilespmem:s9], [sflag:$0x5], $0x10, $0x38;
	[tilespmem:$0x1FA00] =	vst v63  }
0xb8: {  	s6 =	sadd.s32 $0x170, s3;
	s9 =	rddreg [dreg:$0x1d]  }
0xb9: {  	[spmem:s6] =	stream.linear.scatter [tilespmem:s8], [sflag:$0x5], $0x10, $0x38;
	[tilespmem:$0x1FA00] =	vst v63  }
0xba: {  	s6 =	sadd.s32 $0x180, s3;
	s8 =	rddreg [dreg:$0x1e]  }
0xbb: {  	[spmem:s6] =	stream.linear.scatter [tilespmem:s9], [sflag:$0x5], $0x10, $0x38;
	[tilespmem:$0x1FA00] =	vst v63  }
0xbc: {  	s6 =	sadd.s32 $0x190, s3;
	s9 =	rddreg [dreg:$0x1f]  }
0xbd: {  	[spmem:s6] =	stream.linear.scatter [tilespmem:s8], [sflag:$0x5], $0x10, $0x38;
	[tilespmem:$0x1FA00] =	vst v63  }
0xbe: {  	s6 =	sadd.s32 $0x1A0, s3;
	s8 =	sld [smem:$0x7F7]  }
0xbf: {  	[spmem:s6] =	stream.linear.scatter [tilespmem:s9], [sflag:$0x5], $0x10, $0x38;
	[tilespmem:$0x1FA00] =	vst v63  }
0xc0: {  	s6 =	sadd.s32 $0x1B0, s3;
	s9 =	sld [smem:$0x7F8]  }
0xc1: {  	[spmem:s6] =	stream.linear.scatter [tilespmem:s8], [sflag:$0x5], $0x10, $0x38;
	[tilespmem:$0x1FA00] =	vst v63  }
0xc2: {  	s6 =	sadd.s32 $0x1C0, s3;
	s8 =	sld [smem:$0x7FA]  }
0xc3: {  	[spmem:s6] =	stream.linear.scatter [tilespmem:s9], [sflag:$0x5], $0x10, $0x38;
	[tilespmem:$0x1FA00] =	vst v63  }
0xc4: {  	s6 =	sadd.s32 $0x1D0, s3;
	s9 =	sld [smem:$0x7FB]  }
0xc5: {  	[spmem:s6] =	stream.linear.scatter [tilespmem:s8], [sflag:$0x5], $0x10, $0x38;
	[tilespmem:$0x1FA00] =	vst v63  }
0xc6: {  	p0 =	sne.s32 s7, $0x9800;
	s6 =	sadd.s32 $0x1E0, s3;
	s8 =	sld [smem:$0x7FC]  }
0xc7: {  	[spmem:s6] =	stream.linear.scatter [tilespmem:s9], [sflag:$0x5], $0x10, $0x38;
	[tilespmem:$0x1FA00] =	vst v63  }
.Ltmp2:
0xc8: {  	_ = 	snop;
	(pc) =	sbr.rel @p0 .LBB2_6-.Ltmp2, $4  }
0xc9: {  	s3 =	sadd.s32 $0x1F0, s3  }
0xca: {  	[spmem:s3] =	stream.linear.scatter [tilespmem:s8], [sflag:$0x5], $0x10, $0x38;
	[tilespmem:$0x1FA00] =	vst v63  }
0xcb: {  	_ =	swait.ge [sflag:s14], $0x200  }
0xcc: {  	s7 =	sadd.s32 $0x800, s7;
	[sflag:s14] =	ssyncset.done $0x0  }
0xcd: {  	[sflag:s14] =	ssyncadd.s32 $0xFFFFFE00  }
0xce: {  	s3 =	sadd.s32 $0x0, s12;
	[bflag:$0x0] =	sbarrier.arrive $0xFFFF  }
0xcf: {  	[tilespmem:s15], [sflag:$0x5] =	stream.linear.gather [hbm4b:s3+s5], $0x400, $0x38;
	[tilespmem:$0x1FA00] =	vst v63  }
0xd0: {  	_ =	swait.ge [sflag:s14], $0x400  }
0xd1: {  	[sflag:s14] =	ssyncset.done $0x0  }
0xd2: {  	s9 =	simm.s32 $0x1C800;
	[sflag:s14] =	ssyncadd.s32 $0xFFFFFC00  }
0xd3: {  	[spmem:s17] =	stream.indirect.scatter.add.f32 [tilespmem:s9], [sflag:$0x3], $0x10, s15, s16, $0xb8;
	[tilespmem:$0x1FA00] =	vst v63  }
0xd4: {  	_ = 	snop  }
0xd5: {  	[spmem:s17] =	stream.indirect.scatter.add.f32 [tilespmem:s9], [sflag:$0x3], $0x10, s18, s16, $0xb8;
	[tilespmem:$0x1FA00] =	vst v63  }
0xd6: {  	_ = 	snop  }
0xd7: {  	[spmem:s17] =	stream.indirect.scatter.add.f32 [tilespmem:s9], [sflag:$0x3], $0x10, s19, s16, $0xb8;
	[tilespmem:$0x1FA00] =	vst v63  }
0xd8: {  	_ = 	snop  }
0xd9: {  	[spmem:s17] =	stream.indirect.scatter.add.f32 [tilespmem:s9], [sflag:$0x3], $0x10, s20, s16, $0xb8;
	[tilespmem:$0x1FA00] =	vst v63  }
0xda: {  	_ = 	snop  }
0xdb: {  	[spmem:s17] =	stream.indirect.scatter.add.f32 [tilespmem:s9], [sflag:$0x3], $0x10, s21, s16, $0xb8;
	[tilespmem:$0x1FA00] =	vst v63  }
0xdc: {  	_ = 	snop  }
0xdd: {  	[spmem:s17] =	stream.indirect.scatter.add.f32 [tilespmem:s9], [sflag:$0x3], $0x10, s22, s16, $0xb8;
	[tilespmem:$0x1FA00] =	vst v63  }
0xde: {  	_ = 	snop  }
0xdf: {  	[spmem:s17] =	stream.indirect.scatter.add.f32 [tilespmem:s9], [sflag:$0x3], $0x10, s23, s16, $0xb8;
	[tilespmem:$0x1FA00] =	vst v63  }
0xe0: {  	_ = 	snop  }
0xe1: {  	[spmem:s17] =	stream.indirect.scatter.add.f32 [tilespmem:s9], [sflag:$0x3], $0x10, s24, s16, $0xb8;
	[tilespmem:$0x1FA00] =	vst v63  }
0xe2: {  	_ =	swait.ge [sflag:s25], $0x800  }
0xe3: {  	[sflag:s25] =	ssyncset.done $0x0  }
0xe4: {  	[sflag:s25] =	ssyncadd.s32 $0xFFFFF800  }
0xe5: {  	_ =	swait.ge [sflag:s25], $0x800  }
0xe6: {  	[sflag:s25] =	ssyncset.done $0x0  }
0xe7: {  	[sflag:s25] =	ssyncadd.s32 $0xFFFFF800  }
0xe8: {  	_ =	swait.ge [sflag:s25], $0x800  }
0xe9: {  	[sflag:s25] =	ssyncset.done $0x0  }
0xea: {  	[sflag:s25] =	ssyncadd.s32 $0xFFFFF800  }
0xeb: {  	_ =	swait.ge [sflag:s25], $0x800  }
0xec: {  	[sflag:s25] =	ssyncset.done $0x0  }
0xed: {  	[sflag:s25] =	ssyncadd.s32 $0xFFFFF800  }
0xee: {  	_ =	swait.ge [sflag:s25], $0x800  }
0xef: {  	[sflag:s25] =	ssyncset.done $0x0  }
0xf0: {  	[sflag:s25] =	ssyncadd.s32 $0xFFFFF800  }
0xf1: {  	_ =	swait.ge [sflag:s25], $0x800  }
0xf2: {  	[sflag:s25] =	ssyncset.done $0x0  }
0xf3: {  	[sflag:s25] =	ssyncadd.s32 $0xFFFFF800  }
0xf4: {  	_ =	swait.ge [sflag:s25], $0x800  }
0xf5: {  	[sflag:s25] =	ssyncset.done $0x0  }
0xf6: {  	[sflag:s25] =	ssyncadd.s32 $0xFFFFF800  }
0xf7: {  	_ =	swait.ge [sflag:s25], $0x800  }
0xf8: {  	s6 =	simm.s32 $0x100;
	s3 =	simm.s32 $0x80;
	[sflag:s25] =	ssyncset.done $0x0  }
.LBB2_8:
0xf9: {  	s8 =	sadd.s32 s3, s12  }
0xfa: {  	[sflag:s25] =	ssyncadd.s32 $0xFFFFF800;
	s3 =	smov.u32 s6;
	s7 =	sadd.s32 $0x80, s6  }
0xfb: {  	[tilespmem:s15], [sflag:$0x5] =	stream.linear.gather [hbm4b:s8+s5], $0x400, $0x38;
	[tilespmem:$0x1FA00] =	vst v63  }
0xfc: {  	p0 =	sne.s32 s6, $0x980;
	_ =	swait.ge [sflag:s14], $0x400  }
0xfd: {  	[sflag:s14] =	ssyncset.done $0x0  }
0xfe: {  	[sflag:s14] =	ssyncadd.s32 $0xFFFFFC00  }
0xff: {  	[spmem:s17] =	stream.indirect.scatter.add.f32 [tilespmem:s9], [sflag:$0x3], $0x10, s15, s16, $0xb8;
	[tilespmem:$0x1FA00] =	vst v63  }
0x100: {  	_ = 	snop  }
0x101: {  	[spmem:s17] =	stream.indirect.scatter.add.f32 [tilespmem:s9], [sflag:$0x3], $0x10, s18, s16, $0xb8;
	[tilespmem:$0x1FA00] =	vst v63  }
0x102: {  	_ = 	snop  }
0x103: {  	[spmem:s17] =	stream.indirect.scatter.add.f32 [tilespmem:s9], [sflag:$0x3], $0x10, s19, s16, $0xb8;
	[tilespmem:$0x1FA00] =	vst v63  }
0x104: {  	_ = 	snop  }
0x105: {  	[spmem:s17] =	stream.indirect.scatter.add.f32 [tilespmem:s9], [sflag:$0x3], $0x10, s20, s16, $0xb8;
	[tilespmem:$0x1FA00] =	vst v63  }
0x106: {  	_ = 	snop  }
0x107: {  	[spmem:s17] =	stream.indirect.scatter.add.f32 [tilespmem:s9], [sflag:$0x3], $0x10, s21, s16, $0xb8;
	[tilespmem:$0x1FA00] =	vst v63  }
0x108: {  	_ = 	snop  }
0x109: {  	[spmem:s17] =	stream.indirect.scatter.add.f32 [tilespmem:s9], [sflag:$0x3], $0x10, s22, s16, $0xb8;
	[tilespmem:$0x1FA00] =	vst v63  }
0x10a: {  	_ = 	snop  }
0x10b: {  	[spmem:s17] =	stream.indirect.scatter.add.f32 [tilespmem:s9], [sflag:$0x3], $0x10, s23, s16, $0xb8;
	[tilespmem:$0x1FA00] =	vst v63  }
0x10c: {  	_ = 	snop  }
0x10d: {  	[spmem:s17] =	stream.indirect.scatter.add.f32 [tilespmem:s9], [sflag:$0x3], $0x10, s24, s16, $0xb8;
	[tilespmem:$0x1FA00] =	vst v63  }
0x10e: {  	_ =	swait.ge [sflag:s25], $0x800  }
0x10f: {  	[sflag:s25] =	ssyncset.done $0x0  }
0x110: {  	[sflag:s25] =	ssyncadd.s32 $0xFFFFF800  }
0x111: {  	_ =	swait.ge [sflag:s25], $0x800  }
0x112: {  	[sflag:s25] =	ssyncset.done $0x0  }
0x113: {  	[sflag:s25] =	ssyncadd.s32 $0xFFFFF800  }
0x114: {  	_ =	swait.ge [sflag:s25], $0x800  }
0x115: {  	[sflag:s25] =	ssyncset.done $0x0  }
0x116: {  	[sflag:s25] =	ssyncadd.s32 $0xFFFFF800  }
0x117: {  	_ =	swait.ge [sflag:s25], $0x800  }
0x118: {  	[sflag:s25] =	ssyncset.done $0x0  }
0x119: {  	[sflag:s25] =	ssyncadd.s32 $0xFFFFF800  }
0x11a: {  	_ =	swait.ge [sflag:s25], $0x800  }
0x11b: {  	[sflag:s25] =	ssyncset.done $0x0  }
0x11c: {  	[sflag:s25] =	ssyncadd.s32 $0xFFFFF800  }
0x11d: {  	_ =	swait.ge [sflag:s25], $0x800  }
0x11e: {  	[sflag:s25] =	ssyncset.done $0x0  }
0x11f: {  	[sflag:s25] =	ssyncadd.s32 $0xFFFFF800  }
.Ltmp3:
0x120: {  	_ =	swait.ge [sflag:s25], $0x800;
	(pc) =	sbr.rel @p0 .LBB2_8-.Ltmp3, $4  }
0x121: {  	[sflag:s25] =	ssyncset.done $0x0  }
0x122: {  	[sflag:s25] =	ssyncadd.s32 $0xFFFFF800  }
0x123: {  	_ =	swait.ge [sflag:s25], $0x800  }
0x124: {  	s6 =	smov.u32 s7;
	[sflag:s25] =	ssyncset.done $0x0  }
0x125: {  	s3 =	sadd.s32 s3, s12;
	[sflag:s25] =	ssyncadd.s32 $0xFFFFF800  }
0x126: {  	[tilespmem:s15], [sflag:$0x5] =	stream.linear.gather [hbm4b:s3+s5], $0x400, $0x38;
	[tilespmem:$0x1FA00] =	vst v63  }
0x127: {  	_ =	swait.ge [sflag:s14], $0x400  }
0x128: {  	[sflag:s14] =	ssyncset.done $0x0  }
0x129: {  	[sflag:s14] =	ssyncadd.s32 $0xFFFFFC00  }
0x12a: {  	[spmem:s17] =	stream.indirect.scatter.add.f32 [tilespmem:s9], [sflag:$0x3], $0x10, s15, s16, $0xb8;
	[tilespmem:$0x1FA00] =	vst v63  }
0x12b: {  	_ = 	snop  }
0x12c: {  	[spmem:s17] =	stream.indirect.scatter.add.f32 [tilespmem:s9], [sflag:$0x3], $0x10, s18, s16, $0xb8;
	[tilespmem:$0x1FA00] =	vst v63  }
0x12d: {  	_ = 	snop  }
0x12e: {  	[spmem:s17] =	stream.indirect.scatter.add.f32 [tilespmem:s9], [sflag:$0x3], $0x10, s19, s16, $0xb8;
	[tilespmem:$0x1FA00] =	vst v63  }
0x12f: {  	_ = 	snop  }
0x130: {  	[spmem:s17] =	stream.indirect.scatter.add.f32 [tilespmem:s9], [sflag:$0x3], $0x10, s20, s16, $0xb8;
	[tilespmem:$0x1FA00] =	vst v63  }
0x131: {  	_ = 	snop  }
0x132: {  	[spmem:s17] =	stream.indirect.scatter.add.f32 [tilespmem:s9], [sflag:$0x3], $0x10, s21, s16, $0xb8;
	[tilespmem:$0x1FA00] =	vst v63  }
0x133: {  	_ = 	snop  }
0x134: {  	[spmem:s17] =	stream.indirect.scatter.add.f32 [tilespmem:s9], [sflag:$0x3], $0x10, s22, s16, $0xb8;
	[tilespmem:$0x1FA00] =	vst v63  }
0x135: {  	_ = 	snop  }
0x136: {  	[spmem:s17] =	stream.indirect.scatter.add.f32 [tilespmem:s9], [sflag:$0x3], $0x10, s23, s16, $0xb8;
	[tilespmem:$0x1FA00] =	vst v63  }
0x137: {  	_ = 	snop  }
0x138: {  	[spmem:s17] =	stream.indirect.scatter.add.f32 [tilespmem:s9], [sflag:$0x3], $0x10, s24, s16, $0xb8;
	[tilespmem:$0x1FA00] =	vst v63  }
0x139: {  	_ =	swait.ge [sflag:s25], $0x800  }
0x13a: {  	[sflag:s25] =	ssyncset.done $0x0  }
0x13b: {  	[sflag:s25] =	ssyncadd.s32 $0xFFFFF800  }
0x13c: {  	_ =	swait.ge [sflag:s25], $0x800  }
0x13d: {  	[sflag:s25] =	ssyncset.done $0x0  }
0x13e: {  	[sflag:s25] =	ssyncadd.s32 $0xFFFFF800  }
0x13f: {  	_ =	swait.ge [sflag:s25], $0x800  }
0x140: {  	[sflag:s25] =	ssyncset.done $0x0  }
0x141: {  	[sflag:s25] =	ssyncadd.s32 $0xFFFFF800  }
0x142: {  	_ =	swait.ge [sflag:s25], $0x800  }
0x143: {  	[sflag:s25] =	ssyncset.done $0x0  }
0x144: {  	[sflag:s25] =	ssyncadd.s32 $0xFFFFF800  }
0x145: {  	_ =	swait.ge [sflag:s25], $0x800  }
0x146: {  	[sflag:s25] =	ssyncset.done $0x0  }
0x147: {  	[sflag:s25] =	ssyncadd.s32 $0xFFFFF800  }
0x148: {  	_ =	swait.ge [sflag:s25], $0x800  }
0x149: {  	[sflag:s25] =	ssyncset.done $0x0  }
0x14a: {  	[sflag:s25] =	ssyncadd.s32 $0xFFFFF800  }
0x14b: {  	_ =	swait.ge [sflag:s25], $0x800  }
0x14c: {  	[sflag:s25] =	ssyncset.done $0x0  }
0x14d: {  	[sflag:s25] =	ssyncadd.s32 $0xFFFFF800  }
0x14e: {  	_ =	swait.ge [sflag:s25], $0x800  }
0x14f: {  	[sflag:s25] =	ssyncset.done $0x0  }
0x150: {  	s7 =	simm.s32 $0x1D200;
	[sflag:s25] =	ssyncadd.s32 $0xFFFFF800  }
0x151: {  	s3 =	simm.s32 $0x0;
	s9 =	simm.s32 $0x1D000;
	[bflag:$0x0] =	sbarrier.arrive $0xFFFF  }
.LBB2_10:
0x152: {  	s8 =	sld [smem:$0x7F3];
	_ =	sdelay $0x1  }
0x153: {  	s6 =	sshll.u32 s3, $0x5  }
0x154: {  	s6 =	sadd.s32 s8, s6  }
0x155: {  	s6 =	sshll.u32 s6, $0x4  }
0x156: {  	s6 =	sand.u32 $0x3FFFFFF0, s6  }
0x157: {  	s6 =	sadd.s32 s6, s17  }
0x158: {  	[tilespmem:s9], [sflag:$0x5] =	stream.linear.gather [spmem:s6], $0x200, $0x38;
	[tilespmem:$0x1FA00] =	vst v63  }
0x159: {  	_ =	swait.ge [sflag:s14], $0x200  }
0x15a: {  	[sflag:s14] =	ssyncset.done $0x0  }
0x15b: {  	v2 =	vmov s7;
	s8 =	simm.s32 $0x0;
	s6 =	simm.s32 $0x40;
	[sflag:s14] =	ssyncadd.s32 $0xFFFFFE00  }
.LBB2_11:
0x15c: {  	p0 =	sne.s32 s6, $0x7C0;
	v3 =	vld [tilespmem:s8+$0x1D000];
	_ =	sdelay $0x4  }
0x15d: {  	v3 =	vadd.f32 $1.000000000e+00, v3;
	_ =	sdelay $0x1  }
0x15e: {  	v4 =	vshra.s32 v3, $0x1;
	v3 =	vmul.f32 $5.000000000e-01, v3  }
0x15f: {  	v4 =	vsub.s32 $0x5F3759DF, v4  }
0x160: {  	v5 =	vmul.f32 v4, v3;
	_ =	sdelay $0x1  }
0x161: {  	v5 =	vmul.f32 v4, v5;
	_ =	sdelay $0x1  }
0x162: {  	v5 =	vsub.f32 $1.500000000e+00, v5;
	_ =	sdelay $0x1  }
0x163: {  	v4 =	vmul.f32 v4, v5;
	_ =	sdelay $0x1  }
0x164: {  	v5 =	vmul.f32 v4, v3;
	_ =	sdelay $0x1  }
0x165: {  	v5 =	vmul.f32 v5, v4;
	_ =	sdelay $0x1  }
0x166: {  	v5 =	vsub.f32 $1.500000000e+00, v5;
	_ =	sdelay $0x1  }
0x167: {  	v4 =	vmul.f32 v5, v4;
	_ =	sdelay $0x1  }
0x168: {  	v3 =	vmul.f32 v4, v3;
	_ =	sdelay $0x1  }
0x169: {  	v3 =	vmul.f32 v3, v4;
	_ =	sdelay $0x1  }
.Ltmp4:
0x16a: {  	v3 =	vsub.f32 $1.500000000e+00, v3;
	(pc) =	sbr.rel @p0 .LBB2_11-.Ltmp4, $3  }
0x16b: {  	_ = 	snop  }
0x16c: {  	v3 =	vmul.f32 v3, v4;
	_ =	sdelay $0x1  }
0x16d: {  	[tilespmem:v2+s8+$0x0 ss:$0x1] =	vst.idx.msk $0xffff, v3;
	s8 =	sshra.s32 s6, $0x2;
	s6 =	sadd.s32 $0x40, s6  }
0x16e: {  	v3 =	vld [tilespmem:s8+$0x1D000];
	_ =	sdelay $0x4  }
0x16f: {  	v3 =	vadd.f32 $1.000000000e+00, v3;
	_ =	sdelay $0x1  }
0x170: {  	v4 =	vshra.s32 v3, $0x1;
	v3 =	vmul.f32 $5.000000000e-01, v3  }
0x171: {  	v4 =	vsub.s32 $0x5F3759DF, v4  }
0x172: {  	v5 =	vmul.f32 v4, v3;
	_ =	sdelay $0x1  }
0x173: {  	v5 =	vmul.f32 v4, v5;
	_ =	sdelay $0x1  }
0x174: {  	v5 =	vsub.f32 $1.500000000e+00, v5;
	_ =	sdelay $0x1  }
0x175: {  	v4 =	vmul.f32 v4, v5;
	_ =	sdelay $0x1  }
0x176: {  	v5 =	vmul.f32 v4, v3;
	_ =	sdelay $0x1  }
0x177: {  	v5 =	vmul.f32 v5, v4;
	_ =	sdelay $0x1  }
0x178: {  	v5 =	vsub.f32 $1.500000000e+00, v5;
	_ =	sdelay $0x1  }
0x179: {  	v4 =	vmul.f32 v5, v4;
	_ =	sdelay $0x1  }
0x17a: {  	v3 =	vmul.f32 v4, v3;
	_ =	sdelay $0x1  }
0x17b: {  	s3 =	sadd.s32 $0x1, s3;
	v3 =	vmul.f32 v3, v4  }
0x17c: {  	p0 =	sne.s32 s3, $0x14  }
.Ltmp5:
0x17d: {  	v3 =	vsub.f32 $1.500000000e+00, v3;
	(pc) =	sbr.rel @p0 .LBB2_10-.Ltmp5, $3  }
0x17e: {  	_ = 	snop  }
0x17f: {  	v3 =	vmul.f32 v3, v4;
	_ =	sdelay $0x1  }
0x180: {  	s7 =	sadd.s32 $0x200, s7;
	[tilespmem:v2+s8+$0x0 ss:$0x1] =	vst.idx.msk $0xffff, v3  }
0x181: {  	s3 =	simm.s32 $0x0;
	s7 =	simm.s32 $0x1D200  }
.LBB2_14:
0x182: {  	s8 =	sld [smem:$0x7F3];
	_ =	sdelay $0x1  }
0x183: {  	s6 =	sshll.u32 s3, $0x5;
	s9 =	sld [smem:$0x7F4]  }
0x184: {  	s8 =	sadd.s32 s8, s6  }
0x185: {  	s6 =	sshll.u32 s8, $0x4  }
0x186: {  	s17 =	simm.s32 $0x40;
	s6 =	sadd.s32 s6, s9  }
0x187: {  	[tilespmem:s28], [sflag:$0x5] =	stream.strided.gather [hbm4b:s6+s17], $0x800, s16, s17, $0x38;
	[tilespmem:$0x1FA00] =	vst v63  }
0x188: {  	_ =	swait.ge [sflag:s14], $0x800  }
0x189: {  	[sflag:s14] =	ssyncset.done $0x0  }
0x18a: {  	s6 =	simm.s32 $0x0;
	[sflag:s14] =	ssyncadd.s32 $0xFFFFF800  }
0x18b: {  	v2 =	vld [tilespmem:s6+$0x1B000]  }
0x18c: {  	v3 =	vld [tilespmem:s6+$0x1B010]  }
0x18d: {  	v4 =	vld [tilespmem:s6+$0x1B020]  }
0x18e: {  	v5 =	vld [tilespmem:s6+$0x1B030];
	_ =	sdelay $0x1  }
0x18f: {  	v2 =	vmul.f32 $5.000000000e-01, v2  }
0x190: {  	v3 =	vmul.f32 $5.000000000e-01, v3  }
0x191: {  	v6 =	vld [tilespmem:s7+$0x0];
	v7 =	vmul.f32 $5.000000000e-01, v4;
	[tilespmem:s6+$0x1C000] =	vst v2  }
0x192: {  	v8 =	vmul.f32 $5.000000000e-01, v5;
	[tilespmem:s6+$0x1C010] =	vst v3  }
0x193: {  	[tilespmem:s6+$0x1C020] =	vst v7  }
0x194: {  	s9 =	simm.s32 $0x40;
	[tilespmem:s6+$0x1C030] =	vst v8  }
0x195: {  	v5 =	vld [tilespmem:s9+$0x1B000]  }
0x196: {  	v9 =	vmul.f32 v2, v6;
	v4 =	vld [tilespmem:s9+$0x1B010]  }
0x197: {  	v10 =	vmul.f32 v3, v6;
	v2 =	vld [tilespmem:s9+$0x1B020]  }
0x198: {  	v7 =	vmul.f32 v7, v6;
	v3 =	vld [tilespmem:s9+$0x1B030];
	[tilespmem:s6+$0x1B800] =	vst v9  }
0x199: {  	s13 =	smov.u32 s7;
	s17 =	simm.s32 $0x200;
	v6 =	vmul.f32 v8, v6;
	[tilespmem:s6+$0x1B810] =	vst v10  }
.LBB2_15:
0x19a: {  	p0 =	sne.s32 s17, $0x1F00;
	v8 =	vmul.f32 $5.000000000e-01, v5;
	[tilespmem:s6+$0x1B820] =	vst v7  }
0x19b: {  	s13 =	sadd.s32 $0x10, s13;
	v7 =	vmul.f32 $5.000000000e-01, v4;
	[tilespmem:s6+$0x1B830] =	vst v6;
	s6 =	smov.u32 s9  }
0x19c: {  	v6 =	vld [tilespmem:s13+$0x0];
	[tilespmem:s6+$0x1C000] =	vst v8;
	v9 =	vmul.f32 $5.000000000e-01, v2  }
0x19d: {  	[tilespmem:s6+$0x1C010] =	vst v7;
	v3 =	vmul.f32 $5.000000000e-01, v3  }
0x19e: {  	[tilespmem:s6+$0x1C020] =	vst v9  }
0x19f: {  	s9 =	sshra.s32 s17, $0x2;
	[tilespmem:s6+$0x1C030] =	vst v3  }
.Ltmp6:
0x1a0: {  	v5 =	vld [tilespmem:s9+$0x1B000];
	(pc) =	sbr.rel @p0 .LBB2_15-.Ltmp6, $4  }
0x1a1: {  	v4 =	vld [tilespmem:s9+$0x1B010];
	v8 =	vmul.f32 v8, v6;
	v10 =	vmul.f32 v7, v6  }
0x1a2: {  	v7 =	vmul.f32 v9, v6;
	v6 =	vmul.f32 v3, v6;
	v2 =	vld [tilespmem:s9+$0x1B020]  }
0x1a3: {  	v3 =	vld [tilespmem:s9+$0x1B030];
	[tilespmem:s6+$0x1B800] =	vst v8  }
0x1a4: {  	s17 =	sadd.s32 $0x100, s17;
	[tilespmem:s6+$0x1B810] =	vst v10  }
0x1a5: {  	[tilespmem:s6+$0x1B820] =	vst v7  }
0x1a6: {  	[tilespmem:s6+$0x1B830] =	vst v6;
	s13 =	sadd.s32 $0x10, s13  }
0x1a7: {  	v6 =	vld [tilespmem:s13+$0x0]  }
0x1a8: {  	v5 =	vmul.f32 $5.000000000e-01, v5  }
0x1a9: {  	v4 =	vmul.f32 $5.000000000e-01, v4  }
0x1aa: {  	[tilespmem:s9+$0x1C000] =	vst v5;
	v2 =	vmul.f32 $5.000000000e-01, v2  }
0x1ab: {  	[tilespmem:s9+$0x1C010] =	vst v4;
	v3 =	vmul.f32 $5.000000000e-01, v3  }
0x1ac: {  	[tilespmem:s9+$0x1C020] =	vst v2;
	v5 =	vmul.f32 v5, v6  }
0x1ad: {  	[tilespmem:s9+$0x1C030] =	vst v3;
	v4 =	vmul.f32 v4, v6  }
0x1ae: {  	v2 =	vmul.f32 v2, v6;
	[tilespmem:s9+$0x1B800] =	vst v5  }
0x1af: {  	v3 =	vmul.f32 v3, v6;
	[tilespmem:s9+$0x1B810] =	vst v4  }
0x1b0: {  	s17 =	sshll.u32 s8, $0x6;
	[tilespmem:s9+$0x1B820] =	vst v2  }
0x1b1: {  	s8 =	sadd.s32 s17, s4;
	[tilespmem:s9+$0x1B830] =	vst v3  }
0x1b2: {  	[spmem:s8] =	stream.linear.scatter [tilespmem:s29], [sflag:$0x5], $0x800, $0x38;
	[tilespmem:$0x1FA00] =	vst v63  }
0x1b3: {  	_ =	swait.ge [sflag:s14], $0x800  }
0x1b4: {  	s9 =	sld [smem:$0x7F5];
	_ =	sdelay $0x1  }
0x1b5: {  	s13 =	sld [smem:$0x7F2]  }
0x1b6: {  	s3 =	sadd.s32 $0x1, s3;
	[sflag:s14] =	ssyncset.done $0x0;
	s6 =	sadd.s32 s9, s17  }
0x1b7: {  	p0 =	sne.s32 s3, $0x14;
	[sflag:s14] =	ssyncadd.s32 $0xFFFFF800;
	s6 =	sshrl.u32 s6, $0x3  }
.Ltmp7:
0x1b8: {  	s17 =	simm.s32 $0x1C000;
	s6 =	sadd.s32 s13, s6;
	(pc) =	sbr.rel @p0 .LBB2_14-.Ltmp7, $4  }
0x1b9: {  	[hbm4b:s6+s5] =	stream.linear.scatter [tilespmem:s17], [sflag:$0x5], $0x800, $0x38;
	[tilespmem:$0x1FA00] =	vst v63  }
0x1ba: {  	_ =	swait.ge [sflag:s14], $0x800  }
0x1bb: {  	[sflag:s14] =	ssyncset.done $0x0  }
0x1bc: {  	s7 =	sadd.s32 $0x200, s7;
	[sflag:s14] =	ssyncadd.s32 $0xFFFFF800  }
0x1bd: {  	[bflag:$0x0] =	sbarrier.arrive $0xFFFF;
	s3 =	simm.s32 $0x0;
	s17 =	simm.s32 $0x1B000  }
.LBB2_18:
0x1be: {  	[smem:$0x7EF] =	sst s3;
	s13 =	sadd.s32 $0x0, s12  }
0x1bf: {  	[tilespmem:s15], [sflag:$0x5] =	stream.linear.gather [hbm4b:s13+s5], $0x400, $0x38;
	[tilespmem:$0x1FA00] =	vst v63  }
0x1c0: {  	_ =	swait.ge [sflag:s14], $0x400  }
0x1c1: {  	s6 =	sld [smem:$0x7F1];
	_ =	sdelay $0x1  }
0x1c2: {  	[sflag:s14] =	ssyncset.done $0x0  }
0x1c3: {  	[sflag:s14] =	ssyncadd.s32 $0xFFFFFC00;
	s3 =	sadd.s32 $0x0, s6  }
0x1c4: {  	[tilespmem:s31], [sflag:$0x5] =	stream.linear.gather [hbm4b:s3+s5], $0x400, $0x38;
	[tilespmem:$0x1FA00] =	vst v63  }
0x1c5: {  	_ =	swait.ge [sflag:s14], $0x400  }
0x1c6: {  	[sflag:s14] =	ssyncset.done $0x0  }
0x1c7: {  	[sflag:s14] =	ssyncadd.s32 $0xFFFFFC00  }
0x1c8: {  	[tilespmem:s1], [sflag:$0x1] =	stream.indirect.gather [spmem:s4], $0x40, s15, s16, $0xb8;
	[tilespmem:$0x1FA00] =	vst v63  }
0x1c9: {  	_ = 	snop  }
0x1ca: {  	[tilespmem:s0], [sflag:$0x2] =	stream.indirect.gather [spmem:s4], $0x40, s18, s16, $0xb8;
	[tilespmem:$0x1FA00] =	vst v63  }
0x1cb: {  	_ =	swait.ge [sflag:s10], $0x2000  }
0x1cc: {  	[sflag:s10] =	ssyncset.done $0x0  }
0x1cd: {  	[sflag:s10] =	ssyncadd.s32 $0xFFFFE000  }
0x1ce: {  	[spmem:s2] =	stream.indirect.scatter.add.f32 [tilespmem:s1], [sflag:$0x3], $0x40, s31, s16, $0xb8;
	[tilespmem:$0x1FA00] =	vst v63  }
0x1cf: {  	_ =	swait.ge [sflag:s11], $0x2000  }
0x1d0: {  	s7 =	sld [smem:$0x7FD]  }
0x1d1: {  	[sflag:s11] =	ssyncset.done $0x0  }
0x1d2: {  	[sflag:s11] =	ssyncadd.s32 $0xFFFFE000  }
0x1d3: {  	[spmem:s2] =	stream.indirect.scatter.add.f32 [tilespmem:s0], [sflag:$0x4], $0x40, s7, s16, $0xb8;
	[tilespmem:$0x1FA00] =	vst v63  }
0x1d4: {  	_ =	swait.ge [sflag:s25], $0x2000  }
0x1d5: {  	[sflag:s25] =	ssyncset.done $0x0  }
0x1d6: {  	[sflag:s25] =	ssyncadd.s32 $0xFFFFE000  }
0x1d7: {  	[tilespmem:s1], [sflag:$0x1] =	stream.indirect.gather [spmem:s4], $0x40, s19, s16, $0xb8;
	[tilespmem:$0x1FA00] =	vst v63  }
0x1d8: {  	_ =	swait.ge [sflag:s26], $0x2000  }
0x1d9: {  	[sflag:s26] =	ssyncset.done $0x0  }
0x1da: {  	[sflag:s26] =	ssyncadd.s32 $0xFFFFE000  }
0x1db: {  	[tilespmem:s0], [sflag:$0x2] =	stream.indirect.gather [spmem:s4], $0x40, s20, s16, $0xb8;
	[tilespmem:$0x1FA00] =	vst v63  }
0x1dc: {  	_ =	swait.ge [sflag:s10], $0x2000  }
0x1dd: {  	[sflag:s10] =	ssyncset.done $0x0  }
0x1de: {  	s13 =	simm.s32 $0x16D00;
	[sflag:s10] =	ssyncadd.s32 $0xFFFFE000  }
0x1df: {  	[spmem:s2] =	stream.indirect.scatter.add.f32 [tilespmem:s1], [sflag:$0x3], $0x40, s13, s16, $0xb8;
	[tilespmem:$0x1FA00] =	vst v63  }
0x1e0: {  	_ =	swait.ge [sflag:s11], $0x2000  }
0x1e1: {  	[sflag:s11] =	ssyncset.done $0x0  }
0x1e2: {  	s28 =	simm.s32 $0x16D80;
	[sflag:s11] =	ssyncadd.s32 $0xFFFFE000  }
0x1e3: {  	[spmem:s2] =	stream.indirect.scatter.add.f32 [tilespmem:s0], [sflag:$0x4], $0x40, s28, s16, $0xb8;
	[tilespmem:$0x1FA00] =	vst v63  }
0x1e4: {  	_ =	swait.ge [sflag:s25], $0x2000  }
0x1e5: {  	[sflag:s25] =	ssyncset.done $0x0  }
0x1e6: {  	[sflag:s25] =	ssyncadd.s32 $0xFFFFE000  }
0x1e7: {  	[tilespmem:s1], [sflag:$0x1] =	stream.indirect.gather [spmem:s4], $0x40, s21, s16, $0xb8;
	[tilespmem:$0x1FA00] =	vst v63  }
0x1e8: {  	_ =	swait.ge [sflag:s26], $0x2000  }
0x1e9: {  	[sflag:s26] =	ssyncset.done $0x0  }
0x1ea: {  	[sflag:s26] =	ssyncadd.s32 $0xFFFFE000  }
0x1eb: {  	[tilespmem:s0], [sflag:$0x2] =	stream.indirect.gather [spmem:s4], $0x40, s22, s16, $0xb8;
	[tilespmem:$0x1FA00] =	vst v63  }
0x1ec: {  	_ =	swait.ge [sflag:s10], $0x2000  }
0x1ed: {  	[sflag:s10] =	ssyncset.done $0x0  }
0x1ee: {  	s8 =	simm.s32 $0x16E00;
	[sflag:s10] =	ssyncadd.s32 $0xFFFFE000  }
0x1ef: {  	[spmem:s2] =	stream.indirect.scatter.add.f32 [tilespmem:s1], [sflag:$0x3], $0x40, s8, s16, $0xb8;
	[tilespmem:$0x1FA00] =	vst v63  }
0x1f0: {  	_ =	swait.ge [sflag:s11], $0x2000  }
0x1f1: {  	[sflag:s11] =	ssyncset.done $0x0  }
0x1f2: {  	s9 =	simm.s32 $0x16E80;
	[sflag:s11] =	ssyncadd.s32 $0xFFFFE000  }
0x1f3: {  	[spmem:s2] =	stream.indirect.scatter.add.f32 [tilespmem:s0], [sflag:$0x4], $0x40, s9, s16, $0xb8;
	[tilespmem:$0x1FA00] =	vst v63  }
0x1f4: {  	_ =	swait.ge [sflag:s25], $0x2000  }
0x1f5: {  	[sflag:s25] =	ssyncset.done $0x0  }
0x1f6: {  	[sflag:s25] =	ssyncadd.s32 $0xFFFFE000  }
0x1f7: {  	[tilespmem:s1], [sflag:$0x1] =	stream.indirect.gather [spmem:s4], $0x40, s23, s16, $0xb8;
	[tilespmem:$0x1FA00] =	vst v63  }
0x1f8: {  	_ =	swait.ge [sflag:s26], $0x2000  }
0x1f9: {  	[sflag:s26] =	ssyncset.done $0x0  }
0x1fa: {  	[sflag:s26] =	ssyncadd.s32 $0xFFFFE000  }
0x1fb: {  	[tilespmem:s0], [sflag:$0x2] =	stream.indirect.gather [spmem:s4], $0x40, s24, s16, $0xb8;
	[tilespmem:$0x1FA00] =	vst v63  }
0x1fc: {  	_ =	swait.ge [sflag:s10], $0x2000  }
0x1fd: {  	[sflag:s10] =	ssyncset.done $0x0  }
0x1fe: {  	s29 =	simm.s32 $0x16F00;
	[sflag:s10] =	ssyncadd.s32 $0xFFFFE000  }
0x1ff: {  	[spmem:s2] =	stream.indirect.scatter.add.f32 [tilespmem:s1], [sflag:$0x3], $0x40, s29, s16, $0xb8;
	[tilespmem:$0x1FA00] =	vst v63  }
0x200: {  	_ =	swait.ge [sflag:s11], $0x2000  }
0x201: {  	[sflag:s11] =	ssyncset.done $0x0  }
0x202: {  	[sflag:s11] =	ssyncadd.s32 $0xFFFFE000  }
0x203: {  	[spmem:s2] =	stream.indirect.scatter.add.f32 [tilespmem:s0], [sflag:$0x4], $0x40, s30, s16, $0xb8;
	[tilespmem:$0x1FA00] =	vst v63  }
0x204: {  	_ =	swait.ge [sflag:s25], $0x2000  }
0x205: {  	[sflag:s25] =	ssyncset.done $0x0  }
0x206: {  	[sflag:s25] =	ssyncadd.s32 $0xFFFFE000  }
0x207: {  	_ =	swait.ge [sflag:s26], $0x2000  }
0x208: {  	s6 =	simm.s32 $0x100;
	s7 =	simm.s32 $0x80;
	[sflag:s26] =	ssyncset.done $0x0  }
.LBB2_19:
0x209: {  	s8 =	sadd.s32 s7, s12  }
0x20a: {  	[sflag:s26] =	ssyncadd.s32 $0xFFFFE000;
	s9 =	smov.u32 s6;
	s3 =	sadd.s32 $0x80, s6  }
0x20b: {  	[tilespmem:s15], [sflag:$0x5] =	stream.linear.gather [hbm4b:s8+s5], $0x400, $0x38;
	[tilespmem:$0x1FA00] =	vst v63  }
0x20c: {  	s8 =	simm.s32 $0x16E00  }
0x20d: {  	p0 =	sne.s32 s6, $0x980;
	_ =	swait.ge [sflag:s14], $0x400  }
0x20e: {  	s6 =	sld [smem:$0x7F1];
	_ =	sdelay $0x1  }
0x20f: {  	[sflag:s14] =	ssyncset.done $0x0  }
0x210: {  	[sflag:s14] =	ssyncadd.s32 $0xFFFFFC00  }
0x211: {  	s6 =	sadd.s32 s7, s6;
	s7 =	smov.u32 s9;
	s9 =	simm.s32 $0x16E80  }
0x212: {  	[tilespmem:s31], [sflag:$0x5] =	stream.linear.gather [hbm4b:s6+s5], $0x400, $0x38;
	[tilespmem:$0x1FA00] =	vst v63  }
0x213: {  	_ =	swait.ge [sflag:s14], $0x400  }
0x214: {  	[sflag:s14] =	ssyncset.done $0x0  }
0x215: {  	[sflag:s14] =	ssyncadd.s32 $0xFFFFFC00  }
0x216: {  	[tilespmem:s1], [sflag:$0x1] =	stream.indirect.gather [spmem:s4], $0x40, s15, s16, $0xb8;
	[tilespmem:$0x1FA00] =	vst v63  }
0x217: {  	_ = 	snop  }
0x218: {  	[tilespmem:s0], [sflag:$0x2] =	stream.indirect.gather [spmem:s4], $0x40, s18, s16, $0xb8;
	[tilespmem:$0x1FA00] =	vst v63  }
0x219: {  	_ =	swait.ge [sflag:s10], $0x2000  }
0x21a: {  	[sflag:s10] =	ssyncset.done $0x0  }
0x21b: {  	[sflag:s10] =	ssyncadd.s32 $0xFFFFE000  }
0x21c: {  	[spmem:s2] =	stream.indirect.scatter.add.f32 [tilespmem:s1], [sflag:$0x3], $0x40, s31, s16, $0xb8;
	[tilespmem:$0x1FA00] =	vst v63  }
0x21d: {  	_ =	swait.ge [sflag:s11], $0x2000  }
0x21e: {  	[sflag:s11] =	ssyncset.done $0x0;
	s6 =	sld [smem:$0x7FD]  }
0x21f: {  	[sflag:s11] =	ssyncadd.s32 $0xFFFFE000;
	_ =	sdelay $0x1  }
0x220: {  	[spmem:s2] =	stream.indirect.scatter.add.f32 [tilespmem:s0], [sflag:$0x4], $0x40, s6, s16, $0xb8;
	[tilespmem:$0x1FA00] =	vst v63  }
0x221: {  	_ =	swait.ge [sflag:s25], $0x2000  }
0x222: {  	[sflag:s25] =	ssyncset.done $0x0  }
0x223: {  	[sflag:s25] =	ssyncadd.s32 $0xFFFFE000  }
0x224: {  	[tilespmem:s1], [sflag:$0x1] =	stream.indirect.gather [spmem:s4], $0x40, s19, s16, $0xb8;
	[tilespmem:$0x1FA00] =	vst v63  }
0x225: {  	_ =	swait.ge [sflag:s26], $0x2000  }
0x226: {  	[sflag:s26] =	ssyncset.done $0x0  }
0x227: {  	[sflag:s26] =	ssyncadd.s32 $0xFFFFE000  }
0x228: {  	[tilespmem:s0], [sflag:$0x2] =	stream.indirect.gather [spmem:s4], $0x40, s20, s16, $0xb8;
	[tilespmem:$0x1FA00] =	vst v63  }
0x229: {  	_ =	swait.ge [sflag:s10], $0x2000  }
0x22a: {  	[sflag:s10] =	ssyncset.done $0x0  }
0x22b: {  	[sflag:s10] =	ssyncadd.s32 $0xFFFFE000  }
0x22c: {  	[spmem:s2] =	stream.indirect.scatter.add.f32 [tilespmem:s1], [sflag:$0x3], $0x40, s13, s16, $0xb8;
	[tilespmem:$0x1FA00] =	vst v63  }
0x22d: {  	_ =	swait.ge [sflag:s11], $0x2000  }
0x22e: {  	[sflag:s11] =	ssyncset.done $0x0  }
0x22f: {  	[sflag:s11] =	ssyncadd.s32 $0xFFFFE000  }
0x230: {  	[spmem:s2] =	stream.indirect.scatter.add.f32 [tilespmem:s0], [sflag:$0x4], $0x40, s28, s16, $0xb8;
	[tilespmem:$0x1FA00] =	vst v63  }
0x231: {  	_ =	swait.ge [sflag:s25], $0x2000  }
0x232: {  	[sflag:s25] =	ssyncset.done $0x0  }
0x233: {  	[sflag:s25] =	ssyncadd.s32 $0xFFFFE000  }
0x234: {  	[tilespmem:s1], [sflag:$0x1] =	stream.indirect.gather [spmem:s4], $0x40, s21, s16, $0xb8;
	[tilespmem:$0x1FA00] =	vst v63  }
0x235: {  	_ =	swait.ge [sflag:s26], $0x2000  }
0x236: {  	[sflag:s26] =	ssyncset.done $0x0  }
0x237: {  	[sflag:s26] =	ssyncadd.s32 $0xFFFFE000  }
0x238: {  	[tilespmem:s0], [sflag:$0x2] =	stream.indirect.gather [spmem:s4], $0x40, s22, s16, $0xb8;
	[tilespmem:$0x1FA00] =	vst v63  }
0x239: {  	_ =	swait.ge [sflag:s10], $0x2000  }
0x23a: {  	[sflag:s10] =	ssyncset.done $0x0  }
0x23b: {  	[sflag:s10] =	ssyncadd.s32 $0xFFFFE000  }
0x23c: {  	[spmem:s2] =	stream.indirect.scatter.add.f32 [tilespmem:s1], [sflag:$0x3], $0x40, s8, s16, $0xb8;
	[tilespmem:$0x1FA00] =	vst v63  }
0x23d: {  	_ =	swait.ge [sflag:s11], $0x2000  }
0x23e: {  	[sflag:s11] =	ssyncset.done $0x0  }
0x23f: {  	[sflag:s11] =	ssyncadd.s32 $0xFFFFE000  }
0x240: {  	[spmem:s2] =	stream.indirect.scatter.add.f32 [tilespmem:s0], [sflag:$0x4], $0x40, s9, s16, $0xb8;
	[tilespmem:$0x1FA00] =	vst v63  }
0x241: {  	_ =	swait.ge [sflag:s25], $0x2000  }
0x242: {  	[sflag:s25] =	ssyncset.done $0x0  }
0x243: {  	[sflag:s25] =	ssyncadd.s32 $0xFFFFE000  }
0x244: {  	[tilespmem:s1], [sflag:$0x1] =	stream.indirect.gather [spmem:s4], $0x40, s23, s16, $0xb8;
	[tilespmem:$0x1FA00] =	vst v63  }
0x245: {  	_ =	swait.ge [sflag:s26], $0x2000  }
0x246: {  	[sflag:s26] =	ssyncset.done $0x0  }
0x247: {  	[sflag:s26] =	ssyncadd.s32 $0xFFFFE000  }
0x248: {  	[tilespmem:s0], [sflag:$0x2] =	stream.indirect.gather [spmem:s4], $0x40, s24, s16, $0xb8;
	[tilespmem:$0x1FA00] =	vst v63  }
0x249: {  	_ =	swait.ge [sflag:s10], $0x2000  }
0x24a: {  	[sflag:s10] =	ssyncset.done $0x0  }
0x24b: {  	[sflag:s10] =	ssyncadd.s32 $0xFFFFE000  }
0x24c: {  	[spmem:s2] =	stream.indirect.scatter.add.f32 [tilespmem:s1], [sflag:$0x3], $0x40, s29, s16, $0xb8;
	[tilespmem:$0x1FA00] =	vst v63  }
0x24d: {  	_ =	swait.ge [sflag:s11], $0x2000  }
0x24e: {  	[sflag:s11] =	ssyncset.done $0x0  }
0x24f: {  	[sflag:s11] =	ssyncadd.s32 $0xFFFFE000  }
0x250: {  	[spmem:s2] =	stream.indirect.scatter.add.f32 [tilespmem:s0], [sflag:$0x4], $0x40, s30, s16, $0xb8;
	[tilespmem:$0x1FA00] =	vst v63  }
.Ltmp8:
0x251: {  	_ =	swait.ge [sflag:s25], $0x2000;
	(pc) =	sbr.rel @p0 .LBB2_19-.Ltmp8, $4  }
0x252: {  	[sflag:s25] =	ssyncset.done $0x0  }
0x253: {  	[sflag:s25] =	ssyncadd.s32 $0xFFFFE000  }
0x254: {  	_ =	swait.ge [sflag:s26], $0x2000  }
0x255: {  	s6 =	smov.u32 s3;
	[sflag:s26] =	ssyncset.done $0x0  }
0x256: {  	s3 =	sadd.s32 s7, s12;
	[sflag:s26] =	ssyncadd.s32 $0xFFFFE000  }
0x257: {  	[tilespmem:s15], [sflag:$0x5] =	stream.linear.gather [hbm4b:s3+s5], $0x400, $0x38;
	[tilespmem:$0x1FA00] =	vst v63  }
0x258: {  	_ =	swait.ge [sflag:s14], $0x400  }
0x259: {  	s6 =	sld [smem:$0x7F1];
	_ =	sdelay $0x1  }
0x25a: {  	[sflag:s14] =	ssyncset.done $0x0  }
0x25b: {  	[sflag:s14] =	ssyncadd.s32 $0xFFFFFC00;
	s3 =	sadd.s32 s7, s6  }
0x25c: {  	[tilespmem:s31], [sflag:$0x5] =	stream.linear.gather [hbm4b:s3+s5], $0x400, $0x38;
	[tilespmem:$0x1FA00] =	vst v63  }
0x25d: {  	_ =	swait.ge [sflag:s14], $0x400  }
0x25e: {  	[sflag:s14] =	ssyncset.done $0x0  }
0x25f: {  	[sflag:s14] =	ssyncadd.s32 $0xFFFFFC00  }
0x260: {  	[tilespmem:s1], [sflag:$0x1] =	stream.indirect.gather [spmem:s4], $0x40, s15, s16, $0xb8;
	[tilespmem:$0x1FA00] =	vst v63  }
0x261: {  	_ = 	snop  }
0x262: {  	[tilespmem:s0], [sflag:$0x2] =	stream.indirect.gather [spmem:s4], $0x40, s18, s16, $0xb8;
	[tilespmem:$0x1FA00] =	vst v63  }
0x263: {  	_ =	swait.ge [sflag:s10], $0x2000  }
0x264: {  	[sflag:s10] =	ssyncset.done $0x0  }
0x265: {  	[sflag:s10] =	ssyncadd.s32 $0xFFFFE000  }
0x266: {  	[spmem:s2] =	stream.indirect.scatter.add.f32 [tilespmem:s1], [sflag:$0x3], $0x40, s31, s16, $0xb8;
	[tilespmem:$0x1FA00] =	vst v63  }
0x267: {  	_ =	swait.ge [sflag:s11], $0x2000  }
0x268: {  	s7 =	sld [smem:$0x7FD]  }
0x269: {  	[sflag:s11] =	ssyncset.done $0x0  }
0x26a: {  	[sflag:s11] =	ssyncadd.s32 $0xFFFFE000  }
0x26b: {  	[spmem:s2] =	stream.indirect.scatter.add.f32 [tilespmem:s0], [sflag:$0x4], $0x40, s7, s16, $0xb8;
	[tilespmem:$0x1FA00] =	vst v63  }
0x26c: {  	_ =	swait.ge [sflag:s25], $0x2000  }
0x26d: {  	[sflag:s25] =	ssyncset.done $0x0  }
0x26e: {  	[sflag:s25] =	ssyncadd.s32 $0xFFFFE000  }
0x26f: {  	[tilespmem:s1], [sflag:$0x1] =	stream.indirect.gather [spmem:s4], $0x40, s19, s16, $0xb8;
	[tilespmem:$0x1FA00] =	vst v63  }
0x270: {  	_ =	swait.ge [sflag:s26], $0x2000  }
0x271: {  	[sflag:s26] =	ssyncset.done $0x0  }
0x272: {  	[sflag:s26] =	ssyncadd.s32 $0xFFFFE000  }
0x273: {  	[tilespmem:s0], [sflag:$0x2] =	stream.indirect.gather [spmem:s4], $0x40, s20, s16, $0xb8;
	[tilespmem:$0x1FA00] =	vst v63  }
0x274: {  	_ =	swait.ge [sflag:s10], $0x2000  }
0x275: {  	[sflag:s10] =	ssyncset.done $0x0  }
0x276: {  	[sflag:s10] =	ssyncadd.s32 $0xFFFFE000  }
0x277: {  	[spmem:s2] =	stream.indirect.scatter.add.f32 [tilespmem:s1], [sflag:$0x3], $0x40, s13, s16, $0xb8;
	[tilespmem:$0x1FA00] =	vst v63  }
0x278: {  	_ =	swait.ge [sflag:s11], $0x2000  }
0x279: {  	[sflag:s11] =	ssyncset.done $0x0  }
0x27a: {  	[sflag:s11] =	ssyncadd.s32 $0xFFFFE000  }
0x27b: {  	[spmem:s2] =	stream.indirect.scatter.add.f32 [tilespmem:s0], [sflag:$0x4], $0x40, s28, s16, $0xb8;
	[tilespmem:$0x1FA00] =	vst v63  }
0x27c: {  	_ =	swait.ge [sflag:s25], $0x2000  }
0x27d: {  	[sflag:s25] =	ssyncset.done $0x0  }
0x27e: {  	[sflag:s25] =	ssyncadd.s32 $0xFFFFE000  }
0x27f: {  	[tilespmem:s1], [sflag:$0x1] =	stream.indirect.gather [spmem:s4], $0x40, s21, s16, $0xb8;
	[tilespmem:$0x1FA00] =	vst v63  }
0x280: {  	_ =	swait.ge [sflag:s26], $0x2000  }
0x281: {  	[sflag:s26] =	ssyncset.done $0x0  }
0x282: {  	[sflag:s26] =	ssyncadd.s32 $0xFFFFE000  }
0x283: {  	[tilespmem:s0], [sflag:$0x2] =	stream.indirect.gather [spmem:s4], $0x40, s22, s16, $0xb8;
	[tilespmem:$0x1FA00] =	vst v63  }
0x284: {  	_ =	swait.ge [sflag:s10], $0x2000  }
0x285: {  	[sflag:s10] =	ssyncset.done $0x0  }
0x286: {  	[sflag:s10] =	ssyncadd.s32 $0xFFFFE000  }
0x287: {  	[spmem:s2] =	stream.indirect.scatter.add.f32 [tilespmem:s1], [sflag:$0x3], $0x40, s8, s16, $0xb8;
	[tilespmem:$0x1FA00] =	vst v63  }
0x288: {  	_ =	swait.ge [sflag:s11], $0x2000  }
0x289: {  	[sflag:s11] =	ssyncset.done $0x0  }
0x28a: {  	[sflag:s11] =	ssyncadd.s32 $0xFFFFE000  }
0x28b: {  	[spmem:s2] =	stream.indirect.scatter.add.f32 [tilespmem:s0], [sflag:$0x4], $0x40, s9, s16, $0xb8;
	[tilespmem:$0x1FA00] =	vst v63  }
0x28c: {  	_ =	swait.ge [sflag:s25], $0x2000  }
0x28d: {  	[sflag:s25] =	ssyncset.done $0x0  }
0x28e: {  	[sflag:s25] =	ssyncadd.s32 $0xFFFFE000  }
0x28f: {  	[tilespmem:s1], [sflag:$0x1] =	stream.indirect.gather [spmem:s4], $0x40, s23, s16, $0xb8;
	[tilespmem:$0x1FA00] =	vst v63  }
0x290: {  	_ =	swait.ge [sflag:s26], $0x2000  }
0x291: {  	[sflag:s26] =	ssyncset.done $0x0  }
0x292: {  	[sflag:s26] =	ssyncadd.s32 $0xFFFFE000  }
0x293: {  	[tilespmem:s0], [sflag:$0x2] =	stream.indirect.gather [spmem:s4], $0x40, s24, s16, $0xb8;
	[tilespmem:$0x1FA00] =	vst v63  }
0x294: {  	_ =	swait.ge [sflag:s10], $0x2000  }
0x295: {  	[sflag:s10] =	ssyncset.done $0x0  }
0x296: {  	[sflag:s10] =	ssyncadd.s32 $0xFFFFE000  }
0x297: {  	[spmem:s2] =	stream.indirect.scatter.add.f32 [tilespmem:s1], [sflag:$0x3], $0x40, s29, s16, $0xb8;
	[tilespmem:$0x1FA00] =	vst v63  }
0x298: {  	_ =	swait.ge [sflag:s11], $0x2000  }
0x299: {  	[sflag:s11] =	ssyncset.done $0x0  }
0x29a: {  	[sflag:s11] =	ssyncadd.s32 $0xFFFFE000  }
0x29b: {  	[spmem:s2] =	stream.indirect.scatter.add.f32 [tilespmem:s0], [sflag:$0x4], $0x40, s30, s16, $0xb8;
	[tilespmem:$0x1FA00] =	vst v63  }
0x29c: {  	_ =	swait.ge [sflag:s25], $0x2000  }
0x29d: {  	[sflag:s25] =	ssyncset.done $0x0  }
0x29e: {  	[sflag:s25] =	ssyncadd.s32 $0xFFFFE000  }
0x29f: {  	_ =	swait.ge [sflag:s26], $0x2000  }
0x2a0: {  	[sflag:s26] =	ssyncset.done $0x0  }
0x2a1: {  	s13 =	simm.s32 $0x0;
	s8 =	simm.s32 $0x1C000;
	[sflag:s26] =	ssyncadd.s32 $0xFFFFE000  }
0x2a2: {  	s9 =	simm.s32 $0x1D200;
	s29 =	simm.s32 $0x1B800;
	[bflag:$0x0] =	sbarrier.arrive $0xFFFF  }
.LBB2_21:
0x2a3: {  	s6 =	sld [smem:$0x7F3];
	_ =	sdelay $0x1  }
0x2a4: {  	s3 =	sshll.u32 s13, $0x5  }
0x2a5: {  	s3 =	sadd.s32 s6, s3  }
0x2a6: {  	s6 =	sshll.u32 s3, $0x6  }
0x2a7: {  	s3 =	sadd.s32 s6, s2  }
0x2a8: {  	[tilespmem:s17], [sflag:$0x5] =	stream.linear.gather [spmem:s3], $0x800, $0x38;
	[tilespmem:$0x1FA00] =	vst v63  }
0x2a9: {  	_ =	swait.ge [sflag:s14], $0x800  }
0x2aa: {  	[sflag:s14] =	ssyncset.done $0x0  }
0x2ab: {  	s17 =	sadd.s32 s6, s4;
	[sflag:s14] =	ssyncadd.s32 $0xFFFFF800  }
0x2ac: {  	[tilespmem:s29], [sflag:$0x5] =	stream.linear.gather [spmem:s17], $0x800, $0x38;
	[tilespmem:$0x1FA00] =	vst v63  }
0x2ad: {  	_ =	swait.ge [sflag:s14], $0x800  }
0x2ae: {  	s7 =	sld [smem:$0x7F5];
	_ =	sdelay $0x1  }
0x2af: {  	s29 =	sld [smem:$0x7F2]  }
0x2b0: {  	s6 =	sadd.s32 s7, s6  }
0x2b1: {  	[sflag:s14] =	ssyncset.done $0x0;
	s6 =	sshrl.u32 s6, $0x3  }
0x2b2: {  	[sflag:s14] =	ssyncadd.s32 $0xFFFFF800;
	s28 =	sadd.s32 s29, s6;
	s29 =	simm.s32 $0x0  }
0x2b3: {  	[tilespmem:s8], [sflag:$0x5] =	stream.linear.gather [hbm4b:s28+s29], $0x800, $0x38;
	[tilespmem:$0x1FA00] =	vst v63  }
0x2b4: {  	_ =	swait.ge [sflag:s14], $0x800  }
0x2b5: {  	[sflag:s14] =	ssyncset.done $0x0  }
0x2b6: {  	s8 =	simm.s32 $0x0;
	[sflag:s14] =	ssyncadd.s32 $0xFFFFF800  }
0x2b7: {  	v3 =	vld [tilespmem:s8+$0x1B030]  }
0x2b8: {  	v5 =	vld [tilespmem:s8+$0x1B810]  }
0x2b9: {  	v2 =	vld [tilespmem:s8+$0x1B020]  }
0x2ba: {  	v10 =	vld [tilespmem:s8+$0x1B010]  }
0x2bb: {  	v9 =	vld [tilespmem:s8+$0x1B000]  }
0x2bc: {  	v8 =	vld [tilespmem:s8+$0x1B830]  }
0x2bd: {  	v11 =	vld [tilespmem:s8+$0x1B800]  }
0x2be: {  	v6 =	vld [tilespmem:s8+$0x1B820]  }
0x2bf: {  	v4 =	vld [tilespmem:s9+$0x0]  }
0x2c0: {  	v7 =	vld [tilespmem:s8+$0x1C010];
	[tilespmem:s8+$0x1B020] =	vst v0  }
0x2c1: {  	s7 =	smov.u32 s9;
	s6 =	simm.s32 $0x100;
	[tilespmem:s8+$0x1B010] =	vst v0;
	v10 =	vadd.f32 v5, v10;
	v5 =	vld [tilespmem:s8+$0x1C020]  }
.LBB2_22:
0x2c2: {  	p0 =	sne.s32 s6, $0x1F00  }
0x2c3: {  	v12 =	vld [tilespmem:s8+$0x1C000];
	[tilespmem:s8+$0x1B030] =	vst v0;
	s7 =	sadd.s32 $0x10, s7;
	s29 =	smov.u32 s6;
	s6 =	sadd.s32 $0x100, s6  }
0x2c4: {  	v9 =	vadd.f32 v11, v9;
	v3 =	vadd.f32 v8, v3;
	[tilespmem:s8+$0x1B000] =	vst v0;
	v8 =	vld [tilespmem:s8+$0x1C030]  }
0x2c5: {  	v11 =	vmul.f32 v4, v4;
	v13 =	vmul.f32 v10, v4  }
0x2c6: {  	v2 =	vadd.f32 v6, v2;
	v14 =	vmul.f32 v9, v4;
	v6 =	vmul.f32 v3, v4  }
0x2c7: {  	v7 =	vadd.f32 v13, v7;
	v10 =	vmul.f32 v10, v11;
	v13 =	vmul.f32 v3, v11  }
0x2c8: {  	s29 =	sshra.s32 s29, $0x2;
	v4 =	vmul.f32 v2, v4;
	v9 =	vmul.f32 v9, v11;
	v12 =	vadd.f32 v14, v12  }
0x2c9: {  	v3 =	vld [tilespmem:s29+$0x1B030];
	[tilespmem:s8+$0x1B810] =	vst v10;
	v10 =	vmul.f32 v2, v11;
	v6 =	vadd.f32 v6, v8  }
0x2ca: {  	v4 =	vadd.f32 v4, v5;
	v14 =	vld [tilespmem:s29+$0x1B810];
	[tilespmem:s8+$0x1B830] =	vst v13  }
0x2cb: {  	v2 =	vld [tilespmem:s29+$0x1B020];
	[tilespmem:s8+$0x1C000] =	vst v12  }
0x2cc: {  	v5 =	vld [tilespmem:s29+$0x1B010];
	[tilespmem:s8+$0x1B800] =	vst v9  }
0x2cd: {  	v9 =	vld [tilespmem:s29+$0x1B000];
	[tilespmem:s8+$0x1C010] =	vst v7  }
0x2ce: {  	v8 =	vld [tilespmem:s29+$0x1B830];
	[tilespmem:s8+$0x1C030] =	vst v6  }
.Ltmp9:
0x2cf: {  	v11 =	vld [tilespmem:s29+$0x1B800];
	[tilespmem:s8+$0x1B820] =	vst v10;
	(pc) =	sbr.rel @p0 .LBB2_22-.Ltmp9, $4  }
0x2d0: {  	v6 =	vld [tilespmem:s29+$0x1B820];
	[tilespmem:s8+$0x1C020] =	vst v4;
	s8 =	smov.u32 s29  }
0x2d1: {  	v4 =	vld [tilespmem:s7+$0x0]  }
0x2d2: {  	v7 =	vld [tilespmem:s8+$0x1C010];
	[tilespmem:s8+$0x1B020] =	vst v0  }
0x2d3: {  	v10 =	vadd.f32 v14, v5;
	[tilespmem:s8+$0x1B010] =	vst v0;
	v5 =	vld [tilespmem:s8+$0x1C020]  }
0x2d4: {  	_ =	sdelay $0x1  }
0x2d5: {  	v59 =	vmul.f32 v4, v4  }
0x2d6: {  	v3 =	vadd.f32 v8, v3  }
0x2d7: {  	v12 =	vld [tilespmem:s8+$0x1C000];
	[tilespmem:s8+$0x1B030] =	vst v0;
	v9 =	vadd.f32 v11, v9;
	v14 =	vmul.f32 v10, v59  }
0x2d8: {  	[tilespmem:s8+$0x1B000] =	vst v0;
	v61 =	vmul.f32 v10, v4;
	v15 =	vmul.f32 v3, v59  }
0x2d9: {  	v60 =	vld [tilespmem:s8+$0x1C030];
	v2 =	vadd.f32 v6, v2;
	v62 =	vmul.f32 v9, v59;
	[tilespmem:s8+$0x1B810] =	vst v14  }
0x2da: {  	v13 =	vmul.f32 v9, v4;
	v7 =	vadd.f32 v61, v7;
	[tilespmem:s8+$0x1B830] =	vst v15  }
0x2db: {  	v63 =	vmul.f32 v2, v4;
	v2 =	vmul.f32 v2, v59;
	[tilespmem:s8+$0x1B800] =	vst v62  }
0x2dc: {  	v3 =	vmul.f32 v3, v4;
	v12 =	vadd.f32 v13, v12;
	[tilespmem:s8+$0x1C010] =	vst v7  }
0x2dd: {  	v4 =	vadd.f32 v63, v5;
	[tilespmem:s8+$0x1B820] =	vst v2  }
0x2de: {  	v3 =	vadd.f32 v3, v60;
	[tilespmem:s8+$0x1C000] =	vst v12  }
0x2df: {  	[tilespmem:s8+$0x1C020] =	vst v4  }
0x2e0: {  	s29 =	simm.s32 $0x1B800;
	[tilespmem:s8+$0x1C030] =	vst v3  }
0x2e1: {  	[spmem:s17] =	stream.linear.scatter [tilespmem:s29], [sflag:$0x5], $0x800, $0x38;
	[tilespmem:$0x1FA00] =	vst v63  }
0x2e2: {  	_ =	swait.ge [sflag:s14], $0x800  }
0x2e3: {  	[sflag:s14] =	ssyncset.done $0x0  }
0x2e4: {  	s8 =	simm.s32 $0x1C000;
	[sflag:s14] =	ssyncadd.s32 $0xFFFFF800  }
0x2e5: {  	[hbm4b:s28+s5] =	stream.linear.scatter [tilespmem:s8], [sflag:$0x5], $0x800, $0x38;
	[tilespmem:$0x1FA00] =	vst v63  }
0x2e6: {  	s13 =	sadd.s32 $0x1, s13;
	_ =	swait.ge [sflag:s14], $0x800  }
0x2e7: {  	p0 =	sne.s32 s13, $0x14;
	[sflag:s14] =	ssyncset.done $0x0  }
.Ltmp10:
0x2e8: {  	s17 =	simm.s32 $0x1B000;
	[sflag:s14] =	ssyncadd.s32 $0xFFFFF800;
	(pc) =	sbr.rel @p0 .LBB2_21-.Ltmp10, $4  }
0x2e9: {  	[spmem:s3] =	stream.linear.scatter [tilespmem:s17], [sflag:$0x5], $0x800, $0x38;
	[tilespmem:$0x1FA00] =	vst v63  }
0x2ea: {  	_ =	swait.ge [sflag:s14], $0x800  }
0x2eb: {  	[sflag:s14] =	ssyncset.done $0x0  }
0x2ec: {  	s9 =	sadd.s32 $0x200, s9;
	[sflag:s14] =	ssyncadd.s32 $0xFFFFF800  }
0x2ed: {  	s3 =	sld [smem:$0x7EF];
	_ =	sdelay $0x2  }
0x2ee: {  	s3 =	sadd.s32 $0x1, s3  }
0x2ef: {  	p0 =	sne.s32 s3, $0x8  }
.Ltmp11:
0x2f0: {  	_ = 	snop;
	(pc) =	sbr.rel @p0 .LBB2_18-.Ltmp11, $2  }
0x2f1: {  	_ =	sdelay $0x1  }
0x2f2: {  	[bflag:$0x0] =	sbarrier.arrive $0xFFFF;
	_ =	sdelay $0x1  }
0x2f3: {  	s6 =	sld [smem:$0x7F0]  }
0x2f4: {  	s3 =	sld [smem:$0x7F6];
	_ =	sdelay $0x1  }
0x2f5: {  	s6 =	sadd.s32 $0x1, s6  }
0x2f6: {  	p0 =	sne.s32 s6, s3  }
.Ltmp12:
0x2f7: {  	_ = 	snop;
	(pc) =	sbr.rel @p0 .LBB2_1-.Ltmp12, $2  }
0x2f8: {  	_ =	sdelay $0x2  }
0x2f9: {  	s28 =	simm.s32 $0x1B000;
	s17 =	rddreg [dreg:$0x2]  }
0x2fa: {  	_ =	sfence.sel $0x180000  }
0x2fb: {  	[bflag:$0x0] =	sbarrier.arrive $0xFFFF  }
0x2fc: {  	_ =	strace $0x90000047  }
0x2fd: {  	s0 =	stileid.u32;
	[bflag:$0x2] =	sbarrier.arrive $0xFFFF  }
0x2fe: {  	p0 =	sne.s32 s0, $0x0;
	s0 =	rddreg [dreg:$0x4]  }
0x2ff: {  	s0 =	sadd.s32 @!p0 $0x100000, s0  }
0x300: {  	[sflag:s0] =	ssyncadd.tile.s32 @!p0 $0x1;
	_ =	shalt  }
.Lfunc_end2:
_tile_overlayer_lowered:
.L_overlay_start_2:
0x301: {  	(tag) =	ssettag $0x2  }
0x302: {  	s0 =	rddreg [dreg:$0x0];
	s2 =	stileid.u32  }
0x303: {  	s1 =	rddreg [dreg:$0x1];
	p0 =	sne.s32 s2, $0x0  }
0x304: {  	s3 =	rddreg [dreg:$0x2];
	[bflag:$0x3] =	sbarrier.arrive $0xFFFF;
	s2 =	simm.s32 @!p0 $0x1C05  }
0x305: {  	[timem:s3], [sflag:s2] =	dma.local @!p0 [hbm:s0], s1  }
0x306: {  	s0 =	simm.s32 @!p0 $0x5  }
0x307: {  	_ =	swait.ge @!p0 [sflag:s0], s1  }
0x308: {  	s1 =	ssub.s32 @!p0 $0x0, s1;
	[sflag:s0] =	ssyncset.done @!p0 $0x0  }
0x309: {  	[sflag:s0] =	ssyncadd.s32 @!p0 s1  }
0x30a: {  	[bflag:$0x3] =	sbarrier.arrive $0xFFFF  }
0x30b: {  	_ =	shalt  }

</sc_bundles>
